<compile_context>
chip_gen: v7x
topology: tpu7x:2x2x1
jax: 0.10.2.dev20260603
libtpu: 0.0.44.dev20260713+nightly
codegen_flags: <defaults>
</compile_context>

<pallas_src>
import functools

import jax
import jax.numpy as jnp
from jax import lax
from jax.experimental import pallas as pl
from jax.experimental.pallas import tpu as pltpu
from jax.experimental.pallas import tpu_sc as plsc

B, L = 16384, 200
NC, NS = 2, 16
NW = NC * NS
LANES = 16
STRIP = 1024
QT = STRIP // 128
JB = L // 8
QB = B // STRIP
N_UNITS = JB * QB

_mesh = plsc.VectorSubcoreMesh(core_axis_name="c", subcore_axis_name="s")


@functools.partial(
    pl.kernel,
    mesh=_mesh,
    out_type=jax.ShapeDtypeStruct((L, B // 128, 128), jnp.float32),
    compiler_params=pltpu.CompilerParams(needs_layout_passes=False),
    scratch_types=[
        pltpu.VMEM((LANES,), jnp.float32),
        pltpu.VMEM((8, STRIP), jnp.int32),
        pltpu.VMEM((8, STRIP), jnp.int32),
        pltpu.VMEM((8, QT, 128), jnp.float32),
        pltpu.VMEM((8, QT, 128), jnp.float32),
        pltpu.SemaphoreType.DMA,
        pltpu.SemaphoreType.DMA,
        pltpu.SemaphoreType.DMA,
        pltpu.SemaphoreType.DMA,
    ],
)
def _lookup(xt_hbm, table_hbm, out_hbm, table_v, in0, in1, out0, out1,
            isem0, isem1, osem0, osem1):
    wid = lax.axis_index("s") * NC + lax.axis_index("c")

    u0 = (N_UNITS * wid) // NW
    cnt = (N_UNITS * (wid + 1)) // NW - u0

    def in_slice(u):
        jb = u // QB
        qq = u % QB
        return xt_hbm.at[pl.ds(pl.multiple_of(jb * 8, 8), 8),
                         pl.ds(pl.multiple_of(qq * STRIP, STRIP), STRIP)]

    def out_slice(u):
        jb = u // QB
        qq = u % QB
        return out_hbm.at[pl.ds(pl.multiple_of(jb * 8, 8), 8),
                          pl.ds(pl.multiple_of(qq * QT, 8), QT), :]

    def start_in(u, buf, sem):
        pltpu.async_copy(in_slice(u), buf, sem)

    def wait_in(buf, sem):
        pltpu.make_async_copy(in_slice(0), buf, sem).wait()

    def start_out(u, buf, sem):
        pltpu.async_copy(buf, out_slice(u), sem)

    def wait_out(buf, sem):
        pltpu.make_async_copy(buf, out_slice(0), sem).wait()

    def gather(in_v, out_v):
        @plsc.parallel_loop(0, 8 * QT, unroll=1)
        def body(t):
            j = t // QT
            q = t % QT
            for cg in range(8):
                sl = pl.ds(cg * 16, LANES)
                out_v[j, q, sl] = plsc.load_gather(
                    table_v, [in_v[j, pl.ds(q * 128 + cg * 16, LANES)]])

    start_in(u0, in0, isem0)
    start_in(u0 + 1, in1, isem1)
    pltpu.sync_copy(table_hbm, table_v)

    def pair_body(k, carry):
        ua = u0 + 2 * k
        wait_in(in0, isem0)

        @pl.when(k > 0)
        def _():
            wait_out(out0, osem0)

        gather(in0, out0)
        start_out(ua, out0, osem0)

        @pl.when(2 * k + 2 < cnt)
        def _():
            start_in(ua + 2, in0, isem0)

        wait_in(in1, isem1)

        @pl.when(k > 0)
        def _():
            wait_out(out1, osem1)

        gather(in1, out1)
        start_out(ua + 1, out1, osem1)

        @pl.when(2 * k + 3 < cnt)
        def _():
            start_in(ua + 3, in1, isem1)

        return carry

    lax.fori_loop(0, 6, pair_body, 0)

    @pl.when(cnt == 13)
    def _():
        wait_in(in0, isem0)
        wait_out(out0, osem0)
        gather(in0, out0)
        start_out(u0 + 12, out0, osem0)

    wait_out(out0, osem0)
    wait_out(out1, osem1)


def kernel(x, table):
    xt = x.astype(jnp.int32).T
    table_pad = jnp.pad(table.reshape(-1), (0, LANES - table.shape[0]))
    out3 = _lookup(xt, table_pad)
    return jnp.swapaxes(out3.reshape(L, B, 1), 0, 1)

# --- scband reference (transcript-rebuilt; emitter-appended) ---
"""Pipeline reference for scband-scale-net-16716012716327 (READ-ONLY COPY).

The authoritative reference and input builder live on the scoring server;
editing this copy changes nothing except your own understanding.
"""

import jax, jax.numpy as jnp
import numpy as np


def setup_inputs(seed: int = 0) -> dict:
    key = jax.random.key(seed)
    k1, k2 = jax.random.split(key)
    x = jax.random.randint(k1, (16384, 200), 0, 11, dtype=jnp.int64 if jax.config.jax_enable_x64 else jnp.int32)
    # nn.Embedding(11, 1) weight, default init N(0,1)
    table = jax.random.normal(k2, (11, 1), dtype=jnp.float32)
    return {"x": x, "table": table}


def reference(x, table):
    # Faithful translation of: x = self.embedding(x.long())
    out = jnp.take(table, x.astype(jnp.int32), axis=0)  # [B, L, 1]
    return out

if __name__ == "__main__":
    import jax
    _d = setup_inputs()
    print(jax.jit(kernel)(*tuple(_d.values())))

</pallas_src>

<mosaic_0001>
#map = affine_map<(d0, d1) -> (0, 0)>
#map1 = affine_map<(d0, d1) -> (0)>
#map2 = affine_map<(d0, d1) -> (0, 0, 0)>
module attributes {stable_mosaic.version = 14 : i64} {
  func.func @_lookup(%arg0: i32, %arg1: i32, %arg2: memref<200x16384xi32, #tpu.memory_space<hbm>>, %arg3: memref<16xf32, #tpu.memory_space<hbm>>, %arg4: memref<200x128x128xf32, #tpu.memory_space<hbm>>, %arg5: memref<16xf32, #tpu.memory_space<vmem>>, %arg6: memref<8x1024xi32, #tpu.memory_space<vmem>>, %arg7: memref<8x1024xi32, #tpu.memory_space<vmem>>, %arg8: memref<8x8x128xf32, #tpu.memory_space<vmem>>, %arg9: memref<8x8x128xf32, #tpu.memory_space<vmem>>, %arg10: memref<!tpu.dma_semaphore, #tpu.memory_space<semaphore_mem>>, %arg11: memref<!tpu.dma_semaphore, #tpu.memory_space<semaphore_mem>>, %arg12: memref<!tpu.dma_semaphore, #tpu.memory_space<semaphore_mem>>, %arg13: memref<!tpu.dma_semaphore, #tpu.memory_space<semaphore_mem>>) attributes {dimension_semantics = [#tpu.dimension_semantics<core_parallel>, #tpu.dimension_semantics<subcore_parallel>], iteration_bounds = array<i64: 2, 16>, scalar_prefetch = 0 : i64, scratch_operands = 9 : i64, tpu.core_type = #tpu.core_type<sc_vector_subcore>, window_params = [{transform_indices = #map}, {transform_indices = #map1}, {transform_indices = #map2}]} {
    %mul3A = arith.constant 2 : i32
    %mul3A_0 = arith.muli %arg1, %mul3A : i32
    %add3A = arith.addi %mul3A_0, %arg0 : i32
    %mul3A_1 = arith.constant 400 : i32
    %mul3A_2 = arith.muli %mul3A_1, %add3A : i32
    %jit3A = arith.constant 32 : i32
    %div3A = arith.divsi %mul3A_2, %jit3A : i32
    %sign3A = arith.constant 0 : i32
    %sign3A_3 = arith.cmpi sgt, %mul3A_2, %sign3A : i32
    %sign3A_4 = arith.extui %sign3A_3 : i1 to i32
    %sign3A_5 = arith.constant 0 : i32
    %sign3A_6 = arith.cmpi slt, %mul3A_2, %sign3A_5 : i32
    %sign3A_7 = arith.extui %sign3A_6 : i1 to i32
    %sign3A_8 = arith.subi %sign3A_4, %sign3A_7 : i32
    %sign3A_9 = arith.constant 0 : i32
    %sign3A_10 = arith.cmpi sgt, %jit3A, %sign3A_9 : i32
    %sign3A_11 = arith.extui %sign3A_10 : i1 to i32
    %sign3A_12 = arith.constant 0 : i32
    %sign3A_13 = arith.cmpi slt, %jit3A, %sign3A_12 : i32
    %sign3A_14 = arith.extui %sign3A_13 : i1 to i32
    %sign3A_15 = arith.subi %sign3A_11, %sign3A_14 : i32
    %ne3A = arith.cmpi ne, %sign3A_8, %sign3A_15 : i32
    %rem3A = arith.remsi %mul3A_2, %jit3A : i32
    %ne3A_16 = arith.constant 0 : i32
    %ne3A_17 = arith.cmpi ne, %rem3A, %ne3A_16 : i32
    %and3A = arith.andi %ne3A, %ne3A_17 : i1
    %sub3A = arith.constant 1 : i32
    %sub3A_18 = arith.subi %div3A, %sub3A : i32
    %select_n3A = arith.select %and3A, %sub3A_18, %div3A : i32
    %add3A_19 = arith.constant 1 : i32
    %add3A_20 = arith.addi %add3A, %add3A_19 : i32
    %mul3A_21 = arith.constant 400 : i32
    %mul3A_22 = arith.muli %mul3A_21, %add3A_20 : i32
    %jit3A_23 = arith.constant 32 : i32
    %div3A_24 = arith.divsi %mul3A_22, %jit3A_23 : i32
    %sign3A_25 = arith.constant 0 : i32
    %sign3A_26 = arith.cmpi sgt, %mul3A_22, %sign3A_25 : i32
    %sign3A_27 = arith.extui %sign3A_26 : i1 to i32
    %sign3A_28 = arith.constant 0 : i32
    %sign3A_29 = arith.cmpi slt, %mul3A_22, %sign3A_28 : i32
    %sign3A_30 = arith.extui %sign3A_29 : i1 to i32
    %sign3A_31 = arith.subi %sign3A_27, %sign3A_30 : i32
    %sign3A_32 = arith.constant 0 : i32
    %sign3A_33 = arith.cmpi sgt, %jit3A_23, %sign3A_32 : i32
    %sign3A_34 = arith.extui %sign3A_33 : i1 to i32
    %sign3A_35 = arith.constant 0 : i32
    %sign3A_36 = arith.cmpi slt, %jit3A_23, %sign3A_35 : i32
    %sign3A_37 = arith.extui %sign3A_36 : i1 to i32
    %sign3A_38 = arith.subi %sign3A_34, %sign3A_37 : i32
    %ne3A_39 = arith.cmpi ne, %sign3A_31, %sign3A_38 : i32
    %rem3A_40 = arith.remsi %mul3A_22, %jit3A_23 : i32
    %ne3A_41 = arith.constant 0 : i32
    %ne3A_42 = arith.cmpi ne, %rem3A_40, %ne3A_41 : i32
    %and3A_43 = arith.andi %ne3A_39, %ne3A_42 : i1
    %sub3A_44 = arith.constant 1 : i32
    %sub3A_45 = arith.subi %div3A_24, %sub3A_44 : i32
    %select_n3A_46 = arith.select %and3A_43, %sub3A_45, %div3A_24 : i32
    %sub3A_47 = arith.subi %select_n3A_46, %select_n3A : i32
    %jit3A_48 = arith.constant 16 : i32
    %div3A_49 = arith.divsi %select_n3A, %jit3A_48 : i32
    %sign3A_50 = arith.constant 0 : i32
    %sign3A_51 = arith.cmpi sgt, %select_n3A, %sign3A_50 : i32
    %sign3A_52 = arith.extui %sign3A_51 : i1 to i32
    %sign3A_53 = arith.constant 0 : i32
    %sign3A_54 = arith.cmpi slt, %select_n3A, %sign3A_53 : i32
    %sign3A_55 = arith.extui %sign3A_54 : i1 to i32
    %sign3A_56 = arith.subi %sign3A_52, %sign3A_55 : i32
    %sign3A_57 = arith.constant 0 : i32
    %sign3A_58 = arith.cmpi sgt, %jit3A_48, %sign3A_57 : i32
    %sign3A_59 = arith.extui %sign3A_58 : i1 to i32
    %sign3A_60 = arith.constant 0 : i32
    %sign3A_61 = arith.cmpi slt, %jit3A_48, %sign3A_60 : i32
    %sign3A_62 = arith.extui %sign3A_61 : i1 to i32
    %sign3A_63 = arith.subi %sign3A_59, %sign3A_62 : i32
    %ne3A_64 = arith.cmpi ne, %sign3A_56, %sign3A_63 : i32
    %rem3A_65 = arith.remsi %select_n3A, %jit3A_48 : i32
    %ne3A_66 = arith.constant 0 : i32
    %ne3A_67 = arith.cmpi ne, %rem3A_65, %ne3A_66 : i32
    %and3A_68 = arith.andi %ne3A_64, %ne3A_67 : i1
    %sub3A_69 = arith.constant 1 : i32
    %sub3A_70 = arith.subi %div3A_49, %sub3A_69 : i32
    %select_n3A_71 = arith.select %and3A_68, %sub3A_70, %div3A_49 : i32
    %jit3A_72 = arith.constant 16 : i32
    %eq3A = arith.constant 0 : i32
    %eq3A_73 = arith.cmpi eq, %jit3A_72, %eq3A : i32
    %jit3A_74 = arith.constant 1 : i32
    %select_n3A_75 = arith.select %eq3A_73, %jit3A_74, %jit3A_72 : i32
    %rem3A_76 = arith.remsi %select_n3A, %select_n3A_75 : i32
    %ne3A_77 = arith.constant 0 : i32
    %ne3A_78 = arith.cmpi ne, %rem3A_76, %ne3A_77 : i32
    %lt3A = arith.constant 0 : i32
    %lt3A_79 = arith.cmpi slt, %rem3A_76, %lt3A : i32
    %lt3A_80 = arith.constant 0 : i32
    %lt3A_81 = arith.cmpi slt, %select_n3A_75, %lt3A_80 : i32
    %ne3A_82 = arith.xori %lt3A_79, %lt3A_81 : i1
    %and3A_83 = arith.andi %ne3A_82, %ne3A_78 : i1
    %add3A_84 = arith.addi %rem3A_76, %select_n3A_75 : i32
    %select_n3A_85 = arith.select %and3A_83, %add3A_84, %rem3A_76 : i32
    %mul3A_86 = arith.constant 8 : i32
    %mul3A_87 = arith.muli %select_n3A_71, %mul3A_86 : i32
    %multiple_of3A = tpu.assume_multiple %mul3A_87, 8 : i32
    %mul3A_88 = arith.constant 1024 : i32
    %mul3A_89 = arith.muli %select_n3A_85, %mul3A_88 : i32
    %multiple_of3A_90 = tpu.assume_multiple %mul3A_89, 1024 : i32
    %dma_start3A = tpu.memref_slice %arg2[%multiple_of3A, %multiple_of3A_90] : memref<200x16384xi32, #tpu.memory_space<hbm>> -> memref<8x1024xi32, #tpu.memory_space<hbm>>
    %dma_start3A_91 = tpu.memref_slice %arg2[%multiple_of3A, %multiple_of3A_90] : memref<200x16384xi32, #tpu.memory_space<hbm>> -> memref<8x1024xi32, #tpu.memory_space<hbm>>
    tpu.enqueue_dma source(%dma_start3A_91 : memref<8x1024xi32, #tpu.memory_space<hbm>>) target(%arg6 : memref<8x1024xi32, #tpu.memory_space<vmem>>) target_semaphore(%arg10 : memref<!tpu.dma_semaphore, #tpu.memory_space<semaphore_mem>>)
    %add3A_92 = arith.constant 1 : i32
    %add3A_93 = arith.addi %select_n3A, %add3A_92 : i32
    %jit3A_94 = arith.constant 16 : i32
    %div3A_95 = arith.divsi %add3A_93, %jit3A_94 : i32
    %sign3A_96 = arith.constant 0 : i32
    %sign3A_97 = arith.cmpi sgt, %add3A_93, %sign3A_96 : i32
    %sign3A_98 = arith.extui %sign3A_97 : i1 to i32
    %sign3A_99 = arith.constant 0 : i32
    %sign3A_100 = arith.cmpi slt, %add3A_93, %sign3A_99 : i32
    %sign3A_101 = arith.extui %sign3A_100 : i1 to i32
    %sign3A_102 = arith.subi %sign3A_98, %sign3A_101 : i32
    %sign3A_103 = arith.constant 0 : i32
    %sign3A_104 = arith.cmpi sgt, %jit3A_94, %sign3A_103 : i32
    %sign3A_105 = arith.extui %sign3A_104 : i1 to i32
    %sign3A_106 = arith.constant 0 : i32
    %sign3A_107 = arith.cmpi slt, %jit3A_94, %sign3A_106 : i32
    %sign3A_108 = arith.extui %sign3A_107 : i1 to i32
    %sign3A_109 = arith.subi %sign3A_105, %sign3A_108 : i32
    %ne3A_110 = arith.cmpi ne, %sign3A_102, %sign3A_109 : i32
    %rem3A_111 = arith.remsi %add3A_93, %jit3A_94 : i32
    %ne3A_112 = arith.constant 0 : i32
    %ne3A_113 = arith.cmpi ne, %rem3A_111, %ne3A_112 : i32
    %and3A_114 = arith.andi %ne3A_110, %ne3A_113 : i1
    %sub3A_115 = arith.constant 1 : i32
    %sub3A_116 = arith.subi %div3A_95, %sub3A_115 : i32
    %select_n3A_117 = arith.select %and3A_114, %sub3A_116, %div3A_95 : i32
    %jit3A_118 = arith.constant 16 : i32
    %eq3A_119 = arith.constant 0 : i32
    %eq3A_120 = arith.cmpi eq, %jit3A_118, %eq3A_119 : i32
    %jit3A_121 = arith.constant 1 : i32
    %select_n3A_122 = arith.select %eq3A_120, %jit3A_121, %jit3A_118 : i32
    %rem3A_123 = arith.remsi %add3A_93, %select_n3A_122 : i32
    %ne3A_124 = arith.constant 0 : i32
    %ne3A_125 = arith.cmpi ne, %rem3A_123, %ne3A_124 : i32
    %lt3A_126 = arith.constant 0 : i32
    %lt3A_127 = arith.cmpi slt, %rem3A_123, %lt3A_126 : i32
    %lt3A_128 = arith.constant 0 : i32
    %lt3A_129 = arith.cmpi slt, %select_n3A_122, %lt3A_128 : i32
    %ne3A_130 = arith.xori %lt3A_127, %lt3A_129 : i1
    %and3A_131 = arith.andi %ne3A_130, %ne3A_125 : i1
    %add3A_132 = arith.addi %rem3A_123, %select_n3A_122 : i32
    %select_n3A_133 = arith.select %and3A_131, %add3A_132, %rem3A_123 : i32
    %mul3A_134 = arith.constant 8 : i32
    %mul3A_135 = arith.muli %select_n3A_117, %mul3A_134 : i32
    %multiple_of3A_136 = tpu.assume_multiple %mul3A_135, 8 : i32
    %mul3A_137 = arith.constant 1024 : i32
    %mul3A_138 = arith.muli %select_n3A_133, %mul3A_137 : i32
    %multiple_of3A_139 = tpu.assume_multiple %mul3A_138, 1024 : i32
    %dma_start3A_140 = tpu.memref_slice %arg2[%multiple_of3A_136, %multiple_of3A_139] : memref<200x16384xi32, #tpu.memory_space<hbm>> -> memref<8x1024xi32, #tpu.memory_space<hbm>>
    %dma_start3A_141 = tpu.memref_slice %arg2[%multiple_of3A_136, %multiple_of3A_139] : memref<200x16384xi32, #tpu.memory_space<hbm>> -> memref<8x1024xi32, #tpu.memory_space<hbm>>
    tpu.enqueue_dma source(%dma_start3A_141 : memref<8x1024xi32, #tpu.memory_space<hbm>>) target(%arg7 : memref<8x1024xi32, #tpu.memory_space<vmem>>) target_semaphore(%arg11 : memref<!tpu.dma_semaphore, #tpu.memory_space<semaphore_mem>>)
    "tpu.region"() ({
      %run_scoped3A = tpu.sem_alloc : memref<!tpu.dma_semaphore, #tpu.memory_space<semaphore_mem>>
      tpu.enqueue_dma source(%arg3 : memref<16xf32, #tpu.memory_space<hbm>>) target(%arg5 : memref<16xf32, #tpu.memory_space<vmem>>) target_semaphore(%run_scoped3A : memref<!tpu.dma_semaphore, #tpu.memory_space<semaphore_mem>>)
      tpu.wait_dma2 semaphore(%run_scoped3A : memref<!tpu.dma_semaphore, #tpu.memory_space<semaphore_mem>>) src(%arg3 : memref<16xf32, #tpu.memory_space<hbm>>) dst(%arg5 : memref<16xf32, #tpu.memory_space<vmem>>)
      tpu.yield
    }) : () -> ()
    %scan3A = arith.constant 0 : i32
    %scan3A_142 = arith.constant 0 : i32
    %scan3A_143 = arith.constant 6 : i32
    %scan3A_144 = arith.addi %scan3A_142, %scan3A_143 : i32
    %scan3A_145 = arith.constant 1 : i32
    scf.for %scan3A_165 = %scan3A_142 to %scan3A_144 step %scan3A_145  : i32 {
      %mul3A_166 = arith.constant 2 : i32
      %mul3A_167 = arith.muli %mul3A_166, %scan3A_165 : i32
      %add3A_168 = arith.addi %select_n3A, %mul3A_167 : i32
      %multiple_of3A_169 = arith.constant 0 : i32
      %multiple_of3A_170 = tpu.assume_multiple %multiple_of3A_169, 8 : i32
      %multiple_of3A_171 = arith.constant 0 : i32
      %multiple_of3A_172 = tpu.assume_multiple %multiple_of3A_171, 1024 : i32
      %dma_wait3A_173 = tpu.memref_slice %arg2[%multiple_of3A_170, %multiple_of3A_172] : memref<200x16384xi32, #tpu.memory_space<hbm>> -> memref<8x1024xi32, #tpu.memory_space<hbm>>
      %dma_wait3A_174 = tpu.memref_slice %arg2[%multiple_of3A_170, %multiple_of3A_172] : memref<200x16384xi32, #tpu.memory_space<hbm>> -> memref<8x1024xi32, #tpu.memory_space<hbm>>
      tpu.wait_dma2 semaphore(%arg10 : memref<!tpu.dma_semaphore, #tpu.memory_space<semaphore_mem>>) src(%dma_wait3A_174 : memref<8x1024xi32, #tpu.memory_space<hbm>>) dst(%arg6 : memref<8x1024xi32, #tpu.memory_space<vmem>>)
      %gt3A = arith.constant 0 : i32
      %gt3A_175 = arith.cmpi sgt, %scan3A_165, %gt3A : i32
      %convert_element_type3A_176 = arith.extui %gt3A_175 : i1 to i32
      %cond3A_177 = arith.constant 0 : i32
      %cond3A_178 = arith.cmpi ne, %convert_element_type3A_176, %cond3A_177 : i32
      scf.if %cond3A_178 {
        %multiple_of3A_313 = arith.constant 0 : i32
        %multiple_of3A_314 = tpu.assume_multiple %multiple_of3A_313, 8 : i32
        %multiple_of3A_315 = arith.constant 0 : i32
        %multiple_of3A_316 = tpu.assume_multiple %multiple_of3A_315, 8 : i32
        %dma_wait3A_317 = arith.constant 0 : i32
        %dma_wait3A_318 = tpu.memref_slice %arg4[%multiple_of3A_314, %multiple_of3A_316, %dma_wait3A_317] : memref<200x128x128xf32, #tpu.memory_space<hbm>> -> memref<8x8x128xf32, #tpu.memory_space<hbm>>
        %dma_wait3A_319 = arith.constant 0 : i32
        %dma_wait3A_320 = tpu.memref_slice %arg4[%multiple_of3A_314, %multiple_of3A_316, %dma_wait3A_319] : memref<200x128x128xf32, #tpu.memory_space<hbm>> -> memref<8x8x128xf32, #tpu.memory_space<hbm>>
        tpu.wait_dma2 semaphore(%arg12 : memref<!tpu.dma_semaphore, #tpu.memory_space<semaphore_mem>>) src(%arg8 : memref<8x8x128xf32, #tpu.memory_space<vmem>>) dst(%dma_wait3A_320 : memref<8x8x128xf32, #tpu.memory_space<hbm>>)
      } else {
      }
      %parallel_loop3A = arith.constant 0 : i32
      %parallel_loop3A_179 = arith.constant 64 : i32
      %parallel_loop3A_180 = arith.constant 1 : i32
      scf.for %parallel_loop3A_313 = %parallel_loop3A to %parallel_loop3A_179 step %parallel_loop3A_180  : i32 {
        %parallel_loop3A_314 = arith.constant 8 : i32
        %parallel_loop3A_315 = arith.divsi %parallel_loop3A_313, %parallel_loop3A_314 : i32
        %parallel_loop3A_316 = arith.constant 0 : i32
        %parallel_loop3A_317 = arith.cmpi sgt, %parallel_loop3A_313, %parallel_loop3A_316 : i32
        %parallel_loop3A_318 = arith.extui %parallel_loop3A_317 : i1 to i32
        %parallel_loop3A_319 = arith.constant 0 : i32
        %parallel_loop3A_320 = arith.cmpi slt, %parallel_loop3A_313, %parallel_loop3A_319 : i32
        %parallel_loop3A_321 = arith.extui %parallel_loop3A_320 : i1 to i32
        %parallel_loop3A_322 = arith.subi %parallel_loop3A_318, %parallel_loop3A_321 : i32
        %parallel_loop3A_323 = arith.constant 0 : i32
        %parallel_loop3A_324 = arith.cmpi sgt, %parallel_loop3A_314, %parallel_loop3A_323 : i32
        %parallel_loop3A_325 = arith.extui %parallel_loop3A_324 : i1 to i32
        %parallel_loop3A_326 = arith.constant 0 : i32
        %parallel_loop3A_327 = arith.cmpi slt, %parallel_loop3A_314, %parallel_loop3A_326 : i32
        %parallel_loop3A_328 = arith.extui %parallel_loop3A_327 : i1 to i32
        %parallel_loop3A_329 = arith.subi %parallel_loop3A_325, %parallel_loop3A_328 : i32
        %parallel_loop3A_330 = arith.cmpi ne, %parallel_loop3A_322, %parallel_loop3A_329 : i32
        %parallel_loop3A_331 = arith.remsi %parallel_loop3A_313, %parallel_loop3A_314 : i32
        %parallel_loop3A_332 = arith.constant 0 : i32
        %parallel_loop3A_333 = arith.cmpi ne, %parallel_loop3A_331, %parallel_loop3A_332 : i32
        %parallel_loop3A_334 = arith.andi %parallel_loop3A_330, %parallel_loop3A_333 : i1
        %parallel_loop3A_335 = arith.constant 1 : i32
        %parallel_loop3A_336 = arith.subi %parallel_loop3A_315, %parallel_loop3A_335 : i32
        %parallel_loop3A_337 = arith.select %parallel_loop3A_334, %parallel_loop3A_336, %parallel_loop3A_315 : i32
        %parallel_loop3A_338 = arith.constant 8 : i32
        %parallel_loop3A_339 = arith.constant 0 : i32
        %parallel_loop3A_340 = arith.cmpi eq, %parallel_loop3A_338, %parallel_loop3A_339 : i32
        %parallel_loop3A_341 = arith.constant 1 : i32
        %parallel_loop3A_342 = arith.select %parallel_loop3A_340, %parallel_loop3A_341, %parallel_loop3A_338 : i32
        %parallel_loop3A_343 = arith.remsi %parallel_loop3A_313, %parallel_loop3A_342 : i32
        %parallel_loop3A_344 = arith.constant 0 : i32
        %parallel_loop3A_345 = arith.cmpi ne, %parallel_loop3A_343, %parallel_loop3A_344 : i32
        %parallel_loop3A_346 = arith.constant 0 : i32
        %parallel_loop3A_347 = arith.cmpi slt, %parallel_loop3A_343, %parallel_loop3A_346 : i32
        %parallel_loop3A_348 = arith.constant 0 : i32
        %parallel_loop3A_349 = arith.cmpi slt, %parallel_loop3A_342, %parallel_loop3A_348 : i32
        %parallel_loop3A_350 = arith.xori %parallel_loop3A_347, %parallel_loop3A_349 : i1
        %parallel_loop3A_351 = arith.andi %parallel_loop3A_350, %parallel_loop3A_345 : i1
        %parallel_loop3A_352 = arith.addi %parallel_loop3A_343, %parallel_loop3A_342 : i32
        %parallel_loop3A_353 = arith.select %parallel_loop3A_351, %parallel_loop3A_352, %parallel_loop3A_343 : i32
        %parallel_loop3A_354 = arith.constant 128 : i32
        %parallel_loop3A_355 = arith.muli %parallel_loop3A_353, %parallel_loop3A_354 : i32
        %parallel_loop3A_356 = arith.constant 0 : i32
        %parallel_loop3A_357 = arith.addi %parallel_loop3A_355, %parallel_loop3A_356 : i32
        %parallel_loop3A_358 = arith.index_cast %parallel_loop3A_337 : i32 to index
        %parallel_loop3A_359 = arith.index_cast %parallel_loop3A_357 : i32 to index
        %parallel_loop3A_360 = tpu.vector_load %arg6[%parallel_loop3A_358, %parallel_loop3A_359] {strides = array<i32>} : memref<8x1024xi32, #tpu.memory_space<vmem>>, vector<16xi32>,
        %parallel_loop3A_361 = tpu.vector_load_idx %arg5[%parallel_loop3A_360] : memref<16xf32, #tpu.memory_space<vmem>>[vector<16xi32>], vector<16xf32>,
        %parallel_loop3A_362 = arith.index_cast %parallel_loop3A_337 : i32 to index
        %parallel_loop3A_363 = arith.index_cast %parallel_loop3A_353 : i32 to index
        %parallel_loop3A_364 = arith.constant 0 : index
        %parallel_loop3A_365 = tpu.vector_load %arg8[%parallel_loop3A_362, %parallel_loop3A_363, %parallel_loop3A_364] {strides = array<i32>} : memref<8x8x128xf32, #tpu.memory_space<vmem>>, vector<16xf32>,
        tpu.vector_store %arg8[%parallel_loop3A_362, %parallel_loop3A_363, %parallel_loop3A_364], %parallel_loop3A_361 {strides = array<i32>} : memref<8x8x128xf32, #tpu.memory_space<vmem>>, vector<16xf32>,
        %parallel_loop3A_366 = arith.constant 128 : i32
        %parallel_loop3A_367 = arith.muli %parallel_loop3A_353, %parallel_loop3A_366 : i32
        %parallel_loop3A_368 = arith.constant 16 : i32
        %parallel_loop3A_369 = arith.addi %parallel_loop3A_367, %parallel_loop3A_368 : i32
        %parallel_loop3A_370 = arith.index_cast %parallel_loop3A_337 : i32 to index
        %parallel_loop3A_371 = arith.index_cast %parallel_loop3A_369 : i32 to index
        %parallel_loop3A_372 = tpu.vector_load %arg6[%parallel_loop3A_370, %parallel_loop3A_371] {strides = array<i32>} : memref<8x1024xi32, #tpu.memory_space<vmem>>, vector<16xi32>,
        %parallel_loop3A_373 = tpu.vector_load_idx %arg5[%parallel_loop3A_372] : memref<16xf32, #tpu.memory_space<vmem>>[vector<16xi32>], vector<16xf32>,
        %parallel_loop3A_374 = arith.index_cast %parallel_loop3A_337 : i32 to index
        %parallel_loop3A_375 = arith.index_cast %parallel_loop3A_353 : i32 to index
        %parallel_loop3A_376 = arith.constant 16 : index
        %parallel_loop3A_377 = tpu.vector_load %arg8[%parallel_loop3A_374, %parallel_loop3A_375, %parallel_loop3A_376] {strides = array<i32>} : memref<8x8x128xf32, #tpu.memory_space<vmem>>, vector<16xf32>,
        tpu.vector_store %arg8[%parallel_loop3A_374, %parallel_loop3A_375, %parallel_loop3A_376], %parallel_loop3A_373 {strides = array<i32>} : memref<8x8x128xf32, #tpu.memory_space<vmem>>, vector<16xf32>,
        %parallel_loop3A_378 = arith.constant 128 : i32
        %parallel_loop3A_379 = arith.muli %parallel_loop3A_353, %parallel_loop3A_378 : i32
        %parallel_loop3A_380 = arith.constant 32 : i32
        %parallel_loop3A_381 = arith.addi %parallel_loop3A_379, %parallel_loop3A_380 : i32
        %parallel_loop3A_382 = arith.index_cast %parallel_loop3A_337 : i32 to index
        %parallel_loop3A_383 = arith.index_cast %parallel_loop3A_381 : i32 to index
        %parallel_loop3A_384 = tpu.vector_load %arg6[%parallel_loop3A_382, %parallel_loop3A_383] {strides = array<i32>} : memref<8x1024xi32, #tpu.memory_space<vmem>>, vector<16xi32>,
        %parallel_loop3A_385 = tpu.vector_load_idx %arg5[%parallel_loop3A_384] : memref<16xf32, #tpu.memory_space<vmem>>[vector<16xi32>], vector<16xf32>,
        %parallel_loop3A_386 = arith.index_cast %parallel_loop3A_337 : i32 to index
        %parallel_loop3A_387 = arith.index_cast %parallel_loop3A_353 : i32 to index
        %parallel_loop3A_388 = arith.constant 32 : index
        %parallel_loop3A_389 = tpu.vector_load %arg8[%parallel_loop3A_386, %parallel_loop3A_387, %parallel_loop3A_388] {strides = array<i32>} : memref<8x8x128xf32, #tpu.memory_space<vmem>>, vector<16xf32>,
        tpu.vector_store %arg8[%parallel_loop3A_386, %parallel_loop3A_387, %parallel_loop3A_388], %parallel_loop3A_385 {strides = array<i32>} : memref<8x8x128xf32, #tpu.memory_space<vmem>>, vector<16xf32>,
        %parallel_loop3A_390 = arith.constant 128 : i32
        %parallel_loop3A_391 = arith.muli %parallel_loop3A_353, %parallel_loop3A_390 : i32
        %parallel_loop3A_392 = arith.constant 48 : i32
        %parallel_loop3A_393 = arith.addi %parallel_loop3A_391, %parallel_loop3A_392 : i32
        %parallel_loop3A_394 = arith.index_cast %parallel_loop3A_337 : i32 to index
        %parallel_loop3A_395 = arith.index_cast %parallel_loop3A_393 : i32 to index
        %parallel_loop3A_396 = tpu.vector_load %arg6[%parallel_loop3A_394, %parallel_loop3A_395] {strides = array<i32>} : memref<8x1024xi32, #tpu.memory_space<vmem>>, vector<16xi32>,
        %parallel_loop3A_397 = tpu.vector_load_idx %arg5[%parallel_loop3A_396] : memref<16xf32, #tpu.memory_space<vmem>>[vector<16xi32>], vector<16xf32>,
        %parallel_loop3A_398 = arith.index_cast %parallel_loop3A_337 : i32 to index
        %parallel_loop3A_399 = arith.index_cast %parallel_loop3A_353 : i32 to index
        %parallel_loop3A_400 = arith.constant 48 : index
        %parallel_loop3A_401 = tpu.vector_load %arg8[%parallel_loop3A_398, %parallel_loop3A_399, %parallel_loop3A_400] {strides = array<i32>} : memref<8x8x128xf32, #tpu.memory_space<vmem>>, vector<16xf32>,
        tpu.vector_store %arg8[%parallel_loop3A_398, %parallel_loop3A_399, %parallel_loop3A_400], %parallel_loop3A_397 {strides = array<i32>} : memref<8x8x128xf32, #tpu.memory_space<vmem>>, vector<16xf32>,
        %parallel_loop3A_402 = arith.constant 128 : i32
        %parallel_loop3A_403 = arith.muli %parallel_loop3A_353, %parallel_loop3A_402 : i32
        %parallel_loop3A_404 = arith.constant 64 : i32
        %parallel_loop3A_405 = arith.addi %parallel_loop3A_403, %parallel_loop3A_404 : i32
        %parallel_loop3A_406 = arith.index_cast %parallel_loop3A_337 : i32 to index
        %parallel_loop3A_407 = arith.index_cast %parallel_loop3A_405 : i32 to index
        %parallel_loop3A_408 = tpu.vector_load %arg6[%parallel_loop3A_406, %parallel_loop3A_407] {strides = array<i32>} : memref<8x1024xi32, #tpu.memory_space<vmem>>, vector<16xi32>,
        %parallel_loop3A_409 = tpu.vector_load_idx %arg5[%parallel_loop3A_408] : memref<16xf32, #tpu.memory_space<vmem>>[vector<16xi32>], vector<16xf32>,
        %parallel_loop3A_410 = arith.index_cast %parallel_loop3A_337 : i32 to index
        %parallel_loop3A_411 = arith.index_cast %parallel_loop3A_353 : i32 to index
        %parallel_loop3A_412 = arith.constant 64 : index
        %parallel_loop3A_413 = tpu.vector_load %arg8[%parallel_loop3A_410, %parallel_loop3A_411, %parallel_loop3A_412] {strides = array<i32>} : memref<8x8x128xf32, #tpu.memory_space<vmem>>, vector<16xf32>,
        tpu.vector_store %arg8[%parallel_loop3A_410, %parallel_loop3A_411, %parallel_loop3A_412], %parallel_loop3A_409 {strides = array<i32>} : memref<8x8x128xf32, #tpu.memory_space<vmem>>, vector<16xf32>,
        %parallel_loop3A_414 = arith.constant 128 : i32
        %parallel_loop3A_415 = arith.muli %parallel_loop3A_353, %parallel_loop3A_414 : i32
        %parallel_loop3A_416 = arith.constant 80 : i32
        %parallel_loop3A_417 = arith.addi %parallel_loop3A_415, %parallel_loop3A_416 : i32
        %parallel_loop3A_418 = arith.index_cast %parallel_loop3A_337 : i32 to index
        %parallel_loop3A_419 = arith.index_cast %parallel_loop3A_417 : i32 to index
        %parallel_loop3A_420 = tpu.vector_load %arg6[%parallel_loop3A_418, %parallel_loop3A_419] {strides = array<i32>} : memref<8x1024xi32, #tpu.memory_space<vmem>>, vector<16xi32>,
        %parallel_loop3A_421 = tpu.vector_load_idx %arg5[%parallel_loop3A_420] : memref<16xf32, #tpu.memory_space<vmem>>[vector<16xi32>], vector<16xf32>,
        %parallel_loop3A_422 = arith.index_cast %parallel_loop3A_337 : i32 to index
        %parallel_loop3A_423 = arith.index_cast %parallel_loop3A_353 : i32 to index
        %parallel_loop3A_424 = arith.constant 80 : index
        %parallel_loop3A_425 = tpu.vector_load %arg8[%parallel_loop3A_422, %parallel_loop3A_423, %parallel_loop3A_424] {strides = array<i32>} : memref<8x8x128xf32, #tpu.memory_space<vmem>>, vector<16xf32>,
        tpu.vector_store %arg8[%parallel_loop3A_422, %parallel_loop3A_423, %parallel_loop3A_424], %parallel_loop3A_421 {strides = array<i32>} : memref<8x8x128xf32, #tpu.memory_space<vmem>>, vector<16xf32>,
        %parallel_loop3A_426 = arith.constant 128 : i32
        %parallel_loop3A_427 = arith.muli %parallel_loop3A_353, %parallel_loop3A_426 : i32
        %parallel_loop3A_428 = arith.constant 96 : i32
        %parallel_loop3A_429 = arith.addi %parallel_loop3A_427, %parallel_loop3A_428 : i32
        %parallel_loop3A_430 = arith.index_cast %parallel_loop3A_337 : i32 to index
        %parallel_loop3A_431 = arith.index_cast %parallel_loop3A_429 : i32 to index
        %parallel_loop3A_432 = tpu.vector_load %arg6[%parallel_loop3A_430, %parallel_loop3A_431] {strides = array<i32>} : memref<8x1024xi32, #tpu.memory_space<vmem>>, vector<16xi32>,
        %parallel_loop3A_433 = tpu.vector_load_idx %arg5[%parallel_loop3A_432] : memref<16xf32, #tpu.memory_space<vmem>>[vector<16xi32>], vector<16xf32>,
        %parallel_loop3A_434 = arith.index_cast %parallel_loop3A_337 : i32 to index
        %parallel_loop3A_435 = arith.index_cast %parallel_loop3A_353 : i32 to index
        %parallel_loop3A_436 = arith.constant 96 : index
        %parallel_loop3A_437 = tpu.vector_load %arg8[%parallel_loop3A_434, %parallel_loop3A_435, %parallel_loop3A_436] {strides = array<i32>} : memref<8x8x128xf32, #tpu.memory_space<vmem>>, vector<16xf32>,
        tpu.vector_store %arg8[%parallel_loop3A_434, %parallel_loop3A_435, %parallel_loop3A_436], %parallel_loop3A_433 {strides = array<i32>} : memref<8x8x128xf32, #tpu.memory_space<vmem>>, vector<16xf32>,
        %parallel_loop3A_438 = arith.constant 128 : i32
        %parallel_loop3A_439 = arith.muli %parallel_loop3A_353, %parallel_loop3A_438 : i32
        %parallel_loop3A_440 = arith.constant 112 : i32
        %parallel_loop3A_441 = arith.addi %parallel_loop3A_439, %parallel_loop3A_440 : i32
        %parallel_loop3A_442 = arith.index_cast %parallel_loop3A_337 : i32 to index
        %parallel_loop3A_443 = arith.index_cast %parallel_loop3A_441 : i32 to index
        %parallel_loop3A_444 = tpu.vector_load %arg6[%parallel_loop3A_442, %parallel_loop3A_443] {strides = array<i32>} : memref<8x1024xi32, #tpu.memory_space<vmem>>, vector<16xi32>,
        %parallel_loop3A_445 = tpu.vector_load_idx %arg5[%parallel_loop3A_444] : memref<16xf32, #tpu.memory_space<vmem>>[vector<16xi32>], vector<16xf32>,
        %parallel_loop3A_446 = arith.index_cast %parallel_loop3A_337 : i32 to index
        %parallel_loop3A_447 = arith.index_cast %parallel_loop3A_353 : i32 to index
        %parallel_loop3A_448 = arith.constant 112 : index
        %parallel_loop3A_449 = tpu.vector_load %arg8[%parallel_loop3A_446, %parallel_loop3A_447, %parallel_loop3A_448] {strides = array<i32>} : memref<8x8x128xf32, #tpu.memory_space<vmem>>, vector<16xf32>,
        tpu.vector_store %arg8[%parallel_loop3A_446, %parallel_loop3A_447, %parallel_loop3A_448], %parallel_loop3A_445 {strides = array<i32>} : memref<8x8x128xf32, #tpu.memory_space<vmem>>, vector<16xf32>,
      } {sc.loop_unroll_factor = 1 : i64, sc.parallel_access}
      %jit3A_181 = arith.constant 16 : i32
      %div3A_182 = arith.divsi %add3A_168, %jit3A_181 : i32
      %sign3A_183 = arith.constant 0 : i32
      %sign3A_184 = arith.cmpi sgt, %add3A_168, %sign3A_183 : i32
      %sign3A_185 = arith.extui %sign3A_184 : i1 to i32
      %sign3A_186 = arith.constant 0 : i32
      %sign3A_187 = arith.cmpi slt, %add3A_168, %sign3A_186 : i32
      %sign3A_188 = arith.extui %sign3A_187 : i1 to i32
      %sign3A_189 = arith.subi %sign3A_185, %sign3A_188 : i32
      %sign3A_190 = arith.constant 0 : i32
      %sign3A_191 = arith.cmpi sgt, %jit3A_181, %sign3A_190 : i32
      %sign3A_192 = arith.extui %sign3A_191 : i1 to i32
      %sign3A_193 = arith.constant 0 : i32
      %sign3A_194 = arith.cmpi slt, %jit3A_181, %sign3A_193 : i32
      %sign3A_195 = arith.extui %sign3A_194 : i1 to i32
      %sign3A_196 = arith.subi %sign3A_192, %sign3A_195 : i32
      %ne3A_197 = arith.cmpi ne, %sign3A_189, %sign3A_196 : i32
      %rem3A_198 = arith.remsi %add3A_168, %jit3A_181 : i32
      %ne3A_199 = arith.constant 0 : i32
      %ne3A_200 = arith.cmpi ne, %rem3A_198, %ne3A_199 : i32
      %and3A_201 = arith.andi %ne3A_197, %ne3A_200 : i1
      %sub3A_202 = arith.constant 1 : i32
      %sub3A_203 = arith.subi %div3A_182, %sub3A_202 : i32
      %select_n3A_204 = arith.select %and3A_201, %sub3A_203, %div3A_182 : i32
      %jit3A_205 = arith.constant 16 : i32
      %eq3A_206 = arith.constant 0 : i32
      %eq3A_207 = arith.cmpi eq, %jit3A_205, %eq3A_206 : i32
      %jit3A_208 = arith.constant 1 : i32
      %select_n3A_209 = arith.select %eq3A_207, %jit3A_208, %jit3A_205 : i32
      %rem3A_210 = arith.remsi %add3A_168, %select_n3A_209 : i32
      %ne3A_211 = arith.constant 0 : i32
      %ne3A_212 = arith.cmpi ne, %rem3A_210, %ne3A_211 : i32
      %lt3A_213 = arith.constant 0 : i32
      %lt3A_214 = arith.cmpi slt, %rem3A_210, %lt3A_213 : i32
      %lt3A_215 = arith.constant 0 : i32
      %lt3A_216 = arith.cmpi slt, %select_n3A_209, %lt3A_215 : i32
      %ne3A_217 = arith.xori %lt3A_214, %lt3A_216 : i1
      %and3A_218 = arith.andi %ne3A_217, %ne3A_212 : i1
      %add3A_219 = arith.addi %rem3A_210, %select_n3A_209 : i32
      %select_n3A_220 = arith.select %and3A_218, %add3A_219, %rem3A_210 : i32
      %mul3A_221 = arith.constant 8 : i32
      %mul3A_222 = arith.muli %select_n3A_204, %mul3A_221 : i32
      %multiple_of3A_223 = tpu.assume_multiple %mul3A_222, 8 : i32
      %mul3A_224 = arith.constant 8 : i32
      %mul3A_225 = arith.muli %select_n3A_220, %mul3A_224 : i32
      %multiple_of3A_226 = tpu.assume_multiple %mul3A_225, 8 : i32
      %dma_start3A_227 = arith.constant 0 : i32
      %dma_start3A_228 = tpu.memref_slice %arg4[%multiple_of3A_223, %multiple_of3A_226, %dma_start3A_227] : memref<200x128x128xf32, #tpu.memory_space<hbm>> -> memref<8x8x128xf32, #tpu.memory_space<hbm>>
      %dma_start3A_229 = arith.constant 0 : i32
      %dma_start3A_230 = tpu.memref_slice %arg4[%multiple_of3A_223, %multiple_of3A_226, %dma_start3A_229] : memref<200x128x128xf32, #tpu.memory_space<hbm>> -> memref<8x8x128xf32, #tpu.memory_space<hbm>>
      tpu.enqueue_dma source(%arg8 : memref<8x8x128xf32, #tpu.memory_space<vmem>>) target(%dma_start3A_230 : memref<8x8x128xf32, #tpu.memory_space<hbm>>) target_semaphore(%arg12 : memref<!tpu.dma_semaphore, #tpu.memory_space<semaphore_mem>>)
      %mul3A_231 = arith.constant 2 : i32
      %mul3A_232 = arith.muli %mul3A_231, %scan3A_165 : i32
      %add3A_233 = arith.constant 2 : i32
      %add3A_234 = arith.addi %mul3A_232, %add3A_233 : i32
      %lt3A_235 = arith.cmpi slt, %add3A_234, %sub3A_47 : i32
      %convert_element_type3A_236 = arith.extui %lt3A_235 : i1 to i32
      %cond3A_237 = arith.constant 0 : i32
      %cond3A_238 = arith.cmpi ne, %convert_element_type3A_236, %cond3A_237 : i32
      scf.if %cond3A_238 {
        %add3A_313 = arith.constant 2 : i32
        %add3A_314 = arith.addi %add3A_168, %add3A_313 : i32
        %jit3A_315 = arith.constant 16 : i32
        %div3A_316 = arith.divsi %add3A_314, %jit3A_315 : i32
        %sign3A_317 = arith.constant 0 : i32
        %sign3A_318 = arith.cmpi sgt, %add3A_314, %sign3A_317 : i32
        %sign3A_319 = arith.extui %sign3A_318 : i1 to i32
        %sign3A_320 = arith.constant 0 : i32
        %sign3A_321 = arith.cmpi slt, %add3A_314, %sign3A_320 : i32
        %sign3A_322 = arith.extui %sign3A_321 : i1 to i32
        %sign3A_323 = arith.subi %sign3A_319, %sign3A_322 : i32
        %sign3A_324 = arith.constant 0 : i32
        %sign3A_325 = arith.cmpi sgt, %jit3A_315, %sign3A_324 : i32
        %sign3A_326 = arith.extui %sign3A_325 : i1 to i32
        %sign3A_327 = arith.constant 0 : i32
        %sign3A_328 = arith.cmpi slt, %jit3A_315, %sign3A_327 : i32
        %sign3A_329 = arith.extui %sign3A_328 : i1 to i32
        %sign3A_330 = arith.subi %sign3A_326, %sign3A_329 : i32
        %ne3A_331 = arith.cmpi ne, %sign3A_323, %sign3A_330 : i32
        %rem3A_332 = arith.remsi %add3A_314, %jit3A_315 : i32
        %ne3A_333 = arith.constant 0 : i32
        %ne3A_334 = arith.cmpi ne, %rem3A_332, %ne3A_333 : i32
        %and3A_335 = arith.andi %ne3A_331, %ne3A_334 : i1
        %sub3A_336 = arith.constant 1 : i32
        %sub3A_337 = arith.subi %div3A_316, %sub3A_336 : i32
        %select_n3A_338 = arith.select %and3A_335, %sub3A_337, %div3A_316 : i32
        %jit3A_339 = arith.constant 16 : i32
        %eq3A_340 = arith.constant 0 : i32
        %eq3A_341 = arith.cmpi eq, %jit3A_339, %eq3A_340 : i32
        %jit3A_342 = arith.constant 1 : i32
        %select_n3A_343 = arith.select %eq3A_341, %jit3A_342, %jit3A_339 : i32
        %rem3A_344 = arith.remsi %add3A_314, %select_n3A_343 : i32
        %ne3A_345 = arith.constant 0 : i32
        %ne3A_346 = arith.cmpi ne, %rem3A_344, %ne3A_345 : i32
        %lt3A_347 = arith.constant 0 : i32
        %lt3A_348 = arith.cmpi slt, %rem3A_344, %lt3A_347 : i32
        %lt3A_349 = arith.constant 0 : i32
        %lt3A_350 = arith.cmpi slt, %select_n3A_343, %lt3A_349 : i32
        %ne3A_351 = arith.xori %lt3A_348, %lt3A_350 : i1
        %and3A_352 = arith.andi %ne3A_351, %ne3A_346 : i1
        %add3A_353 = arith.addi %rem3A_344, %select_n3A_343 : i32
        %select_n3A_354 = arith.select %and3A_352, %add3A_353, %rem3A_344 : i32
        %mul3A_355 = arith.constant 8 : i32
        %mul3A_356 = arith.muli %select_n3A_338, %mul3A_355 : i32
        %multiple_of3A_357 = tpu.assume_multiple %mul3A_356, 8 : i32
        %mul3A_358 = arith.constant 1024 : i32
        %mul3A_359 = arith.muli %select_n3A_354, %mul3A_358 : i32
        %multiple_of3A_360 = tpu.assume_multiple %mul3A_359, 1024 : i32
        %dma_start3A_361 = tpu.memref_slice %arg2[%multiple_of3A_357, %multiple_of3A_360] : memref<200x16384xi32, #tpu.memory_space<hbm>> -> memref<8x1024xi32, #tpu.memory_space<hbm>>
        %dma_start3A_362 = tpu.memref_slice %arg2[%multiple_of3A_357, %multiple_of3A_360] : memref<200x16384xi32, #tpu.memory_space<hbm>> -> memref<8x1024xi32, #tpu.memory_space<hbm>>
        tpu.enqueue_dma source(%dma_start3A_362 : memref<8x1024xi32, #tpu.memory_space<hbm>>) target(%arg6 : memref<8x1024xi32, #tpu.memory_space<vmem>>) target_semaphore(%arg10 : memref<!tpu.dma_semaphore, #tpu.memory_space<semaphore_mem>>)
      } else {
      }
      %multiple_of3A_239 = arith.constant 0 : i32
      %multiple_of3A_240 = tpu.assume_multiple %multiple_of3A_239, 8 : i32
      %multiple_of3A_241 = arith.constant 0 : i32
      %multiple_of3A_242 = tpu.assume_multiple %multiple_of3A_241, 1024 : i32
      %dma_wait3A_243 = tpu.memref_slice %arg2[%multiple_of3A_240, %multiple_of3A_242] : memref<200x16384xi32, #tpu.memory_space<hbm>> -> memref<8x1024xi32, #tpu.memory_space<hbm>>
      %dma_wait3A_244 = tpu.memref_slice %arg2[%multiple_of3A_240, %multiple_of3A_242] : memref<200x16384xi32, #tpu.memory_space<hbm>> -> memref<8x1024xi32, #tpu.memory_space<hbm>>
      tpu.wait_dma2 semaphore(%arg11 : memref<!tpu.dma_semaphore, #tpu.memory_space<semaphore_mem>>) src(%dma_wait3A_244 : memref<8x1024xi32, #tpu.memory_space<hbm>>) dst(%arg7 : memref<8x1024xi32, #tpu.memory_space<vmem>>)
      %gt3A_245 = arith.constant 0 : i32
      %gt3A_246 = arith.cmpi sgt, %scan3A_165, %gt3A_245 : i32
      %convert_element_type3A_247 = arith.extui %gt3A_246 : i1 to i32
      %cond3A_248 = arith.constant 0 : i32
      %cond3A_249 = arith.cmpi ne, %convert_element_type3A_247, %cond3A_248 : i32
      scf.if %cond3A_249 {
        %multiple_of3A_313 = arith.constant 0 : i32
        %multiple_of3A_314 = tpu.assume_multiple %multiple_of3A_313, 8 : i32
        %multiple_of3A_315 = arith.constant 0 : i32
        %multiple_of3A_316 = tpu.assume_multiple %multiple_of3A_315, 8 : i32
        %dma_wait3A_317 = arith.constant 0 : i32
        %dma_wait3A_318 = tpu.memref_slice %arg4[%multiple_of3A_314, %multiple_of3A_316, %dma_wait3A_317] : memref<200x128x128xf32, #tpu.memory_space<hbm>> -> memref<8x8x128xf32, #tpu.memory_space<hbm>>
        %dma_wait3A_319 = arith.constant 0 : i32
        %dma_wait3A_320 = tpu.memref_slice %arg4[%multiple_of3A_314, %multiple_of3A_316, %dma_wait3A_319] : memref<200x128x128xf32, #tpu.memory_space<hbm>> -> memref<8x8x128xf32, #tpu.memory_space<hbm>>
        tpu.wait_dma2 semaphore(%arg13 : memref<!tpu.dma_semaphore, #tpu.memory_space<semaphore_mem>>) src(%arg9 : memref<8x8x128xf32, #tpu.memory_space<vmem>>) dst(%dma_wait3A_320 : memref<8x8x128xf32, #tpu.memory_space<hbm>>)
      } else {
      }
      %parallel_loop3A_250 = arith.constant 0 : i32
      %parallel_loop3A_251 = arith.constant 64 : i32
      %parallel_loop3A_252 = arith.constant 1 : i32
      scf.for %parallel_loop3A_313 = %parallel_loop3A_250 to %parallel_loop3A_251 step %parallel_loop3A_252  : i32 {
        %parallel_loop3A_314 = arith.constant 8 : i32
        %parallel_loop3A_315 = arith.divsi %parallel_loop3A_313, %parallel_loop3A_314 : i32
        %parallel_loop3A_316 = arith.constant 0 : i32
        %parallel_loop3A_317 = arith.cmpi sgt, %parallel_loop3A_313, %parallel_loop3A_316 : i32
        %parallel_loop3A_318 = arith.extui %parallel_loop3A_317 : i1 to i32
        %parallel_loop3A_319 = arith.constant 0 : i32
        %parallel_loop3A_320 = arith.cmpi slt, %parallel_loop3A_313, %parallel_loop3A_319 : i32
        %parallel_loop3A_321 = arith.extui %parallel_loop3A_320 : i1 to i32
        %parallel_loop3A_322 = arith.subi %parallel_loop3A_318, %parallel_loop3A_321 : i32
        %parallel_loop3A_323 = arith.constant 0 : i32
        %parallel_loop3A_324 = arith.cmpi sgt, %parallel_loop3A_314, %parallel_loop3A_323 : i32
        %parallel_loop3A_325 = arith.extui %parallel_loop3A_324 : i1 to i32
        %parallel_loop3A_326 = arith.constant 0 : i32
        %parallel_loop3A_327 = arith.cmpi slt, %parallel_loop3A_314, %parallel_loop3A_326 : i32
        %parallel_loop3A_328 = arith.extui %parallel_loop3A_327 : i1 to i32
        %parallel_loop3A_329 = arith.subi %parallel_loop3A_325, %parallel_loop3A_328 : i32
        %parallel_loop3A_330 = arith.cmpi ne, %parallel_loop3A_322, %parallel_loop3A_329 : i32
        %parallel_loop3A_331 = arith.remsi %parallel_loop3A_313, %parallel_loop3A_314 : i32
        %parallel_loop3A_332 = arith.constant 0 : i32
        %parallel_loop3A_333 = arith.cmpi ne, %parallel_loop3A_331, %parallel_loop3A_332 : i32
        %parallel_loop3A_334 = arith.andi %parallel_loop3A_330, %parallel_loop3A_333 : i1
        %parallel_loop3A_335 = arith.constant 1 : i32
        %parallel_loop3A_336 = arith.subi %parallel_loop3A_315, %parallel_loop3A_335 : i32
        %parallel_loop3A_337 = arith.select %parallel_loop3A_334, %parallel_loop3A_336, %parallel_loop3A_315 : i32
        %parallel_loop3A_338 = arith.constant 8 : i32
        %parallel_loop3A_339 = arith.constant 0 : i32
        %parallel_loop3A_340 = arith.cmpi eq, %parallel_loop3A_338, %parallel_loop3A_339 : i32
        %parallel_loop3A_341 = arith.constant 1 : i32
        %parallel_loop3A_342 = arith.select %parallel_loop3A_340, %parallel_loop3A_341, %parallel_loop3A_338 : i32
        %parallel_loop3A_343 = arith.remsi %parallel_loop3A_313, %parallel_loop3A_342 : i32
        %parallel_loop3A_344 = arith.constant 0 : i32
        %parallel_loop3A_345 = arith.cmpi ne, %parallel_loop3A_343, %parallel_loop3A_344 : i32
        %parallel_loop3A_346 = arith.constant 0 : i32
        %parallel_loop3A_347 = arith.cmpi slt, %parallel_loop3A_343, %parallel_loop3A_346 : i32
        %parallel_loop3A_348 = arith.constant 0 : i32
        %parallel_loop3A_349 = arith.cmpi slt, %parallel_loop3A_342, %parallel_loop3A_348 : i32
        %parallel_loop3A_350 = arith.xori %parallel_loop3A_347, %parallel_loop3A_349 : i1
        %parallel_loop3A_351 = arith.andi %parallel_loop3A_350, %parallel_loop3A_345 : i1
        %parallel_loop3A_352 = arith.addi %parallel_loop3A_343, %parallel_loop3A_342 : i32
        %parallel_loop3A_353 = arith.select %parallel_loop3A_351, %parallel_loop3A_352, %parallel_loop3A_343 : i32
        %parallel_loop3A_354 = arith.constant 128 : i32
        %parallel_loop3A_355 = arith.muli %parallel_loop3A_353, %parallel_loop3A_354 : i32
        %parallel_loop3A_356 = arith.constant 0 : i32
        %parallel_loop3A_357 = arith.addi %parallel_loop3A_355, %parallel_loop3A_356 : i32
        %parallel_loop3A_358 = arith.index_cast %parallel_loop3A_337 : i32 to index
        %parallel_loop3A_359 = arith.index_cast %parallel_loop3A_357 : i32 to index
        %parallel_loop3A_360 = tpu.vector_load %arg7[%parallel_loop3A_358, %parallel_loop3A_359] {strides = array<i32>} : memref<8x1024xi32, #tpu.memory_space<vmem>>, vector<16xi32>,
        %parallel_loop3A_361 = tpu.vector_load_idx %arg5[%parallel_loop3A_360] : memref<16xf32, #tpu.memory_space<vmem>>[vector<16xi32>], vector<16xf32>,
        %parallel_loop3A_362 = arith.index_cast %parallel_loop3A_337 : i32 to index
        %parallel_loop3A_363 = arith.index_cast %parallel_loop3A_353 : i32 to index
        %parallel_loop3A_364 = arith.constant 0 : index
        %parallel_loop3A_365 = tpu.vector_load %arg9[%parallel_loop3A_362, %parallel_loop3A_363, %parallel_loop3A_364] {strides = array<i32>} : memref<8x8x128xf32, #tpu.memory_space<vmem>>, vector<16xf32>,
        tpu.vector_store %arg9[%parallel_loop3A_362, %parallel_loop3A_363, %parallel_loop3A_364], %parallel_loop3A_361 {strides = array<i32>} : memref<8x8x128xf32, #tpu.memory_space<vmem>>, vector<16xf32>,
        %parallel_loop3A_366 = arith.constant 128 : i32
        %parallel_loop3A_367 = arith.muli %parallel_loop3A_353, %parallel_loop3A_366 : i32
        %parallel_loop3A_368 = arith.constant 16 : i32
        %parallel_loop3A_369 = arith.addi %parallel_loop3A_367, %parallel_loop3A_368 : i32
        %parallel_loop3A_370 = arith.index_cast %parallel_loop3A_337 : i32 to index
        %parallel_loop3A_371 = arith.index_cast %parallel_loop3A_369 : i32 to index
        %parallel_loop3A_372 = tpu.vector_load %arg7[%parallel_loop3A_370, %parallel_loop3A_371] {strides = array<i32>} : memref<8x1024xi32, #tpu.memory_space<vmem>>, vector<16xi32>,
        %parallel_loop3A_373 = tpu.vector_load_idx %arg5[%parallel_loop3A_372] : memref<16xf32, #tpu.memory_space<vmem>>[vector<16xi32>], vector<16xf32>,
        %parallel_loop3A_374 = arith.index_cast %parallel_loop3A_337 : i32 to index
        %parallel_loop3A_375 = arith.index_cast %parallel_loop3A_353 : i32 to index
        %parallel_loop3A_376 = arith.constant 16 : index
        %parallel_loop3A_377 = tpu.vector_load %arg9[%parallel_loop3A_374, %parallel_loop3A_375, %parallel_loop3A_376] {strides = array<i32>} : memref<8x8x128xf32, #tpu.memory_space<vmem>>, vector<16xf32>,
        tpu.vector_store %arg9[%parallel_loop3A_374, %parallel_loop3A_375, %parallel_loop3A_376], %parallel_loop3A_373 {strides = array<i32>} : memref<8x8x128xf32, #tpu.memory_space<vmem>>, vector<16xf32>,
        %parallel_loop3A_378 = arith.constant 128 : i32
        %parallel_loop3A_379 = arith.muli %parallel_loop3A_353, %parallel_loop3A_378 : i32
        %parallel_loop3A_380 = arith.constant 32 : i32
        %parallel_loop3A_381 = arith.addi %parallel_loop3A_379, %parallel_loop3A_380 : i32
        %parallel_loop3A_382 = arith.index_cast %parallel_loop3A_337 : i32 to index
        %parallel_loop3A_383 = arith.index_cast %parallel_loop3A_381 : i32 to index
        %parallel_loop3A_384 = tpu.vector_load %arg7[%parallel_loop3A_382, %parallel_loop3A_383] {strides = array<i32>} : memref<8x1024xi32, #tpu.memory_space<vmem>>, vector<16xi32>,
        %parallel_loop3A_385 = tpu.vector_load_idx %arg5[%parallel_loop3A_384] : memref<16xf32, #tpu.memory_space<vmem>>[vector<16xi32>], vector<16xf32>,
        %parallel_loop3A_386 = arith.index_cast %parallel_loop3A_337 : i32 to index
        %parallel_loop3A_387 = arith.index_cast %parallel_loop3A_353 : i32 to index
        %parallel_loop3A_388 = arith.constant 32 : index
        %parallel_loop3A_389 = tpu.vector_load %arg9[%parallel_loop3A_386, %parallel_loop3A_387, %parallel_loop3A_388] {strides = array<i32>} : memref<8x8x128xf32, #tpu.memory_space<vmem>>, vector<16xf32>,
        tpu.vector_store %arg9[%parallel_loop3A_386, %parallel_loop3A_387, %parallel_loop3A_388], %parallel_loop3A_385 {strides = array<i32>} : memref<8x8x128xf32, #tpu.memory_space<vmem>>, vector<16xf32>,
        %parallel_loop3A_390 = arith.constant 128 : i32
        %parallel_loop3A_391 = arith.muli %parallel_loop3A_353, %parallel_loop3A_390 : i32
        %parallel_loop3A_392 = arith.constant 48 : i32
        %parallel_loop3A_393 = arith.addi %parallel_loop3A_391, %parallel_loop3A_392 : i32
        %parallel_loop3A_394 = arith.index_cast %parallel_loop3A_337 : i32 to index
        %parallel_loop3A_395 = arith.index_cast %parallel_loop3A_393 : i32 to index
        %parallel_loop3A_396 = tpu.vector_load %arg7[%parallel_loop3A_394, %parallel_loop3A_395] {strides = array<i32>} : memref<8x1024xi32, #tpu.memory_space<vmem>>, vector<16xi32>,
        %parallel_loop3A_397 = tpu.vector_load_idx %arg5[%parallel_loop3A_396] : memref<16xf32, #tpu.memory_space<vmem>>[vector<16xi32>], vector<16xf32>,
        %parallel_loop3A_398 = arith.index_cast %parallel_loop3A_337 : i32 to index
        %parallel_loop3A_399 = arith.index_cast %parallel_loop3A_353 : i32 to index
        %parallel_loop3A_400 = arith.constant 48 : index
        %parallel_loop3A_401 = tpu.vector_load %arg9[%parallel_loop3A_398, %parallel_loop3A_399, %parallel_loop3A_400] {strides = array<i32>} : memref<8x8x128xf32, #tpu.memory_space<vmem>>, vector<16xf32>,
        tpu.vector_store %arg9[%parallel_loop3A_398, %parallel_loop3A_399, %parallel_loop3A_400], %parallel_loop3A_397 {strides = array<i32>} : memref<8x8x128xf32, #tpu.memory_space<vmem>>, vector<16xf32>,
        %parallel_loop3A_402 = arith.constant 128 : i32
        %parallel_loop3A_403 = arith.muli %parallel_loop3A_353, %parallel_loop3A_402 : i32
        %parallel_loop3A_404 = arith.constant 64 : i32
        %parallel_loop3A_405 = arith.addi %parallel_loop3A_403, %parallel_loop3A_404 : i32
        %parallel_loop3A_406 = arith.index_cast %parallel_loop3A_337 : i32 to index
        %parallel_loop3A_407 = arith.index_cast %parallel_loop3A_405 : i32 to index
        %parallel_loop3A_408 = tpu.vector_load %arg7[%parallel_loop3A_406, %parallel_loop3A_407] {strides = array<i32>} : memref<8x1024xi32, #tpu.memory_space<vmem>>, vector<16xi32>,
        %parallel_loop3A_409 = tpu.vector_load_idx %arg5[%parallel_loop3A_408] : memref<16xf32, #tpu.memory_space<vmem>>[vector<16xi32>], vector<16xf32>,
        %parallel_loop3A_410 = arith.index_cast %parallel_loop3A_337 : i32 to index
        %parallel_loop3A_411 = arith.index_cast %parallel_loop3A_353 : i32 to index
        %parallel_loop3A_412 = arith.constant 64 : index
        %parallel_loop3A_413 = tpu.vector_load %arg9[%parallel_loop3A_410, %parallel_loop3A_411, %parallel_loop3A_412] {strides = array<i32>} : memref<8x8x128xf32, #tpu.memory_space<vmem>>, vector<16xf32>,
        tpu.vector_store %arg9[%parallel_loop3A_410, %parallel_loop3A_411, %parallel_loop3A_412], %parallel_loop3A_409 {strides = array<i32>} : memref<8x8x128xf32, #tpu.memory_space<vmem>>, vector<16xf32>,
        %parallel_loop3A_414 = arith.constant 128 : i32
        %parallel_loop3A_415 = arith.muli %parallel_loop3A_353, %parallel_loop3A_414 : i32
        %parallel_loop3A_416 = arith.constant 80 : i32
        %parallel_loop3A_417 = arith.addi %parallel_loop3A_415, %parallel_loop3A_416 : i32
        %parallel_loop3A_418 = arith.index_cast %parallel_loop3A_337 : i32 to index
        %parallel_loop3A_419 = arith.index_cast %parallel_loop3A_417 : i32 to index
        %parallel_loop3A_420 = tpu.vector_load %arg7[%parallel_loop3A_418, %parallel_loop3A_419] {strides = array<i32>} : memref<8x1024xi32, #tpu.memory_space<vmem>>, vector<16xi32>,
        %parallel_loop3A_421 = tpu.vector_load_idx %arg5[%parallel_loop3A_420] : memref<16xf32, #tpu.memory_space<vmem>>[vector<16xi32>], vector<16xf32>,
        %parallel_loop3A_422 = arith.index_cast %parallel_loop3A_337 : i32 to index
        %parallel_loop3A_423 = arith.index_cast %parallel_loop3A_353 : i32 to index
        %parallel_loop3A_424 = arith.constant 80 : index
        %parallel_loop3A_425 = tpu.vector_load %arg9[%parallel_loop3A_422, %parallel_loop3A_423, %parallel_loop3A_424] {strides = array<i32>} : memref<8x8x128xf32, #tpu.memory_space<vmem>>, vector<16xf32>,
        tpu.vector_store %arg9[%parallel_loop3A_422, %parallel_loop3A_423, %parallel_loop3A_424], %parallel_loop3A_421 {strides = array<i32>} : memref<8x8x128xf32, #tpu.memory_space<vmem>>, vector<16xf32>,
        %parallel_loop3A_426 = arith.constant 128 : i32
        %parallel_loop3A_427 = arith.muli %parallel_loop3A_353, %parallel_loop3A_426 : i32
        %parallel_loop3A_428 = arith.constant 96 : i32
        %parallel_loop3A_429 = arith.addi %parallel_loop3A_427, %parallel_loop3A_428 : i32
        %parallel_loop3A_430 = arith.index_cast %parallel_loop3A_337 : i32 to index
        %parallel_loop3A_431 = arith.index_cast %parallel_loop3A_429 : i32 to index
        %parallel_loop3A_432 = tpu.vector_load %arg7[%parallel_loop3A_430, %parallel_loop3A_431] {strides = array<i32>} : memref<8x1024xi32, #tpu.memory_space<vmem>>, vector<16xi32>,
        %parallel_loop3A_433 = tpu.vector_load_idx %arg5[%parallel_loop3A_432] : memref<16xf32, #tpu.memory_space<vmem>>[vector<16xi32>], vector<16xf32>,
        %parallel_loop3A_434 = arith.index_cast %parallel_loop3A_337 : i32 to index
        %parallel_loop3A_435 = arith.index_cast %parallel_loop3A_353 : i32 to index
        %parallel_loop3A_436 = arith.constant 96 : index
        %parallel_loop3A_437 = tpu.vector_load %arg9[%parallel_loop3A_434, %parallel_loop3A_435, %parallel_loop3A_436] {strides = array<i32>} : memref<8x8x128xf32, #tpu.memory_space<vmem>>, vector<16xf32>,
        tpu.vector_store %arg9[%parallel_loop3A_434, %parallel_loop3A_435, %parallel_loop3A_436], %parallel_loop3A_433 {strides = array<i32>} : memref<8x8x128xf32, #tpu.memory_space<vmem>>, vector<16xf32>,
        %parallel_loop3A_438 = arith.constant 128 : i32
        %parallel_loop3A_439 = arith.muli %parallel_loop3A_353, %parallel_loop3A_438 : i32
        %parallel_loop3A_440 = arith.constant 112 : i32
        %parallel_loop3A_441 = arith.addi %parallel_loop3A_439, %parallel_loop3A_440 : i32
        %parallel_loop3A_442 = arith.index_cast %parallel_loop3A_337 : i32 to index
        %parallel_loop3A_443 = arith.index_cast %parallel_loop3A_441 : i32 to index
        %parallel_loop3A_444 = tpu.vector_load %arg7[%parallel_loop3A_442, %parallel_loop3A_443] {strides = array<i32>} : memref<8x1024xi32, #tpu.memory_space<vmem>>, vector<16xi32>,
        %parallel_loop3A_445 = tpu.vector_load_idx %arg5[%parallel_loop3A_444] : memref<16xf32, #tpu.memory_space<vmem>>[vector<16xi32>], vector<16xf32>,
        %parallel_loop3A_446 = arith.index_cast %parallel_loop3A_337 : i32 to index
        %parallel_loop3A_447 = arith.index_cast %parallel_loop3A_353 : i32 to index
        %parallel_loop3A_448 = arith.constant 112 : index
        %parallel_loop3A_449 = tpu.vector_load %arg9[%parallel_loop3A_446, %parallel_loop3A_447, %parallel_loop3A_448] {strides = array<i32>} : memref<8x8x128xf32, #tpu.memory_space<vmem>>, vector<16xf32>,
        tpu.vector_store %arg9[%parallel_loop3A_446, %parallel_loop3A_447, %parallel_loop3A_448], %parallel_loop3A_445 {strides = array<i32>} : memref<8x8x128xf32, #tpu.memory_space<vmem>>, vector<16xf32>,
      } {sc.loop_unroll_factor = 1 : i64, sc.parallel_access}
      %add3A_253 = arith.constant 1 : i32
      %add3A_254 = arith.addi %add3A_168, %add3A_253 : i32
      %jit3A_255 = arith.constant 16 : i32
      %div3A_256 = arith.divsi %add3A_254, %jit3A_255 : i32
      %sign3A_257 = arith.constant 0 : i32
      %sign3A_258 = arith.cmpi sgt, %add3A_254, %sign3A_257 : i32
      %sign3A_259 = arith.extui %sign3A_258 : i1 to i32
      %sign3A_260 = arith.constant 0 : i32
      %sign3A_261 = arith.cmpi slt, %add3A_254, %sign3A_260 : i32
      %sign3A_262 = arith.extui %sign3A_261 : i1 to i32
      %sign3A_263 = arith.subi %sign3A_259, %sign3A_262 : i32
      %sign3A_264 = arith.constant 0 : i32
      %sign3A_265 = arith.cmpi sgt, %jit3A_255, %sign3A_264 : i32
      %sign3A_266 = arith.extui %sign3A_265 : i1 to i32
      %sign3A_267 = arith.constant 0 : i32
      %sign3A_268 = arith.cmpi slt, %jit3A_255, %sign3A_267 : i32
      %sign3A_269 = arith.extui %sign3A_268 : i1 to i32
      %sign3A_270 = arith.subi %sign3A_266, %sign3A_269 : i32
      %ne3A_271 = arith.cmpi ne, %sign3A_263, %sign3A_270 : i32
      %rem3A_272 = arith.remsi %add3A_254, %jit3A_255 : i32
      %ne3A_273 = arith.constant 0 : i32
      %ne3A_274 = arith.cmpi ne, %rem3A_272, %ne3A_273 : i32
      %and3A_275 = arith.andi %ne3A_271, %ne3A_274 : i1
      %sub3A_276 = arith.constant 1 : i32
      %sub3A_277 = arith.subi %div3A_256, %sub3A_276 : i32
      %select_n3A_278 = arith.select %and3A_275, %sub3A_277, %div3A_256 : i32
      %jit3A_279 = arith.constant 16 : i32
      %eq3A_280 = arith.constant 0 : i32
      %eq3A_281 = arith.cmpi eq, %jit3A_279, %eq3A_280 : i32
      %jit3A_282 = arith.constant 1 : i32
      %select_n3A_283 = arith.select %eq3A_281, %jit3A_282, %jit3A_279 : i32
      %rem3A_284 = arith.remsi %add3A_254, %select_n3A_283 : i32
      %ne3A_285 = arith.constant 0 : i32
      %ne3A_286 = arith.cmpi ne, %rem3A_284, %ne3A_285 : i32
      %lt3A_287 = arith.constant 0 : i32
      %lt3A_288 = arith.cmpi slt, %rem3A_284, %lt3A_287 : i32
      %lt3A_289 = arith.constant 0 : i32
      %lt3A_290 = arith.cmpi slt, %select_n3A_283, %lt3A_289 : i32
      %ne3A_291 = arith.xori %lt3A_288, %lt3A_290 : i1
      %and3A_292 = arith.andi %ne3A_291, %ne3A_286 : i1
      %add3A_293 = arith.addi %rem3A_284, %select_n3A_283 : i32
      %select_n3A_294 = arith.select %and3A_292, %add3A_293, %rem3A_284 : i32
      %mul3A_295 = arith.constant 8 : i32
      %mul3A_296 = arith.muli %select_n3A_278, %mul3A_295 : i32
      %multiple_of3A_297 = tpu.assume_multiple %mul3A_296, 8 : i32
      %mul3A_298 = arith.constant 8 : i32
      %mul3A_299 = arith.muli %select_n3A_294, %mul3A_298 : i32
      %multiple_of3A_300 = tpu.assume_multiple %mul3A_299, 8 : i32
      %dma_start3A_301 = arith.constant 0 : i32
      %dma_start3A_302 = tpu.memref_slice %arg4[%multiple_of3A_297, %multiple_of3A_300, %dma_start3A_301] : memref<200x128x128xf32, #tpu.memory_space<hbm>> -> memref<8x8x128xf32, #tpu.memory_space<hbm>>
      %dma_start3A_303 = arith.constant 0 : i32
      %dma_start3A_304 = tpu.memref_slice %arg4[%multiple_of3A_297, %multiple_of3A_300, %dma_start3A_303] : memref<200x128x128xf32, #tpu.memory_space<hbm>> -> memref<8x8x128xf32, #tpu.memory_space<hbm>>
      tpu.enqueue_dma source(%arg9 : memref<8x8x128xf32, #tpu.memory_space<vmem>>) target(%dma_start3A_304 : memref<8x8x128xf32, #tpu.memory_space<hbm>>) target_semaphore(%arg13 : memref<!tpu.dma_semaphore, #tpu.memory_space<semaphore_mem>>)
      %mul3A_305 = arith.constant 2 : i32
      %mul3A_306 = arith.muli %mul3A_305, %scan3A_165 : i32
      %add3A_307 = arith.constant 3 : i32
      %add3A_308 = arith.addi %mul3A_306, %add3A_307 : i32
      %lt3A_309 = arith.cmpi slt, %add3A_308, %sub3A_47 : i32
      %convert_element_type3A_310 = arith.extui %lt3A_309 : i1 to i32
      %cond3A_311 = arith.constant 0 : i32
      %cond3A_312 = arith.cmpi ne, %convert_element_type3A_310, %cond3A_311 : i32
      scf.if %cond3A_312 {
        %add3A_313 = arith.constant 3 : i32
        %add3A_314 = arith.addi %add3A_168, %add3A_313 : i32
        %jit3A_315 = arith.constant 16 : i32
        %div3A_316 = arith.divsi %add3A_314, %jit3A_315 : i32
        %sign3A_317 = arith.constant 0 : i32
        %sign3A_318 = arith.cmpi sgt, %add3A_314, %sign3A_317 : i32
        %sign3A_319 = arith.extui %sign3A_318 : i1 to i32
        %sign3A_320 = arith.constant 0 : i32
        %sign3A_321 = arith.cmpi slt, %add3A_314, %sign3A_320 : i32
        %sign3A_322 = arith.extui %sign3A_321 : i1 to i32
        %sign3A_323 = arith.subi %sign3A_319, %sign3A_322 : i32
        %sign3A_324 = arith.constant 0 : i32
        %sign3A_325 = arith.cmpi sgt, %jit3A_315, %sign3A_324 : i32
        %sign3A_326 = arith.extui %sign3A_325 : i1 to i32
        %sign3A_327 = arith.constant 0 : i32
        %sign3A_328 = arith.cmpi slt, %jit3A_315, %sign3A_327 : i32
        %sign3A_329 = arith.extui %sign3A_328 : i1 to i32
        %sign3A_330 = arith.subi %sign3A_326, %sign3A_329 : i32
        %ne3A_331 = arith.cmpi ne, %sign3A_323, %sign3A_330 : i32
        %rem3A_332 = arith.remsi %add3A_314, %jit3A_315 : i32
        %ne3A_333 = arith.constant 0 : i32
        %ne3A_334 = arith.cmpi ne, %rem3A_332, %ne3A_333 : i32
        %and3A_335 = arith.andi %ne3A_331, %ne3A_334 : i1
        %sub3A_336 = arith.constant 1 : i32
        %sub3A_337 = arith.subi %div3A_316, %sub3A_336 : i32
        %select_n3A_338 = arith.select %and3A_335, %sub3A_337, %div3A_316 : i32
        %jit3A_339 = arith.constant 16 : i32
        %eq3A_340 = arith.constant 0 : i32
        %eq3A_341 = arith.cmpi eq, %jit3A_339, %eq3A_340 : i32
        %jit3A_342 = arith.constant 1 : i32
        %select_n3A_343 = arith.select %eq3A_341, %jit3A_342, %jit3A_339 : i32
        %rem3A_344 = arith.remsi %add3A_314, %select_n3A_343 : i32
        %ne3A_345 = arith.constant 0 : i32
        %ne3A_346 = arith.cmpi ne, %rem3A_344, %ne3A_345 : i32
        %lt3A_347 = arith.constant 0 : i32
        %lt3A_348 = arith.cmpi slt, %rem3A_344, %lt3A_347 : i32
        %lt3A_349 = arith.constant 0 : i32
        %lt3A_350 = arith.cmpi slt, %select_n3A_343, %lt3A_349 : i32
        %ne3A_351 = arith.xori %lt3A_348, %lt3A_350 : i1
        %and3A_352 = arith.andi %ne3A_351, %ne3A_346 : i1
        %add3A_353 = arith.addi %rem3A_344, %select_n3A_343 : i32
        %select_n3A_354 = arith.select %and3A_352, %add3A_353, %rem3A_344 : i32
        %mul3A_355 = arith.constant 8 : i32
        %mul3A_356 = arith.muli %select_n3A_338, %mul3A_355 : i32
        %multiple_of3A_357 = tpu.assume_multiple %mul3A_356, 8 : i32
        %mul3A_358 = arith.constant 1024 : i32
        %mul3A_359 = arith.muli %select_n3A_354, %mul3A_358 : i32
        %multiple_of3A_360 = tpu.assume_multiple %mul3A_359, 1024 : i32
        %dma_start3A_361 = tpu.memref_slice %arg2[%multiple_of3A_357, %multiple_of3A_360] : memref<200x16384xi32, #tpu.memory_space<hbm>> -> memref<8x1024xi32, #tpu.memory_space<hbm>>
        %dma_start3A_362 = tpu.memref_slice %arg2[%multiple_of3A_357, %multiple_of3A_360] : memref<200x16384xi32, #tpu.memory_space<hbm>> -> memref<8x1024xi32, #tpu.memory_space<hbm>>
        tpu.enqueue_dma source(%dma_start3A_362 : memref<8x1024xi32, #tpu.memory_space<hbm>>) target(%arg7 : memref<8x1024xi32, #tpu.memory_space<vmem>>) target_semaphore(%arg11 : memref<!tpu.dma_semaphore, #tpu.memory_space<semaphore_mem>>)
      } else {
      }
    }
    %scan3A_146 = arith.constant 6 : i32
    %eq3A_147 = arith.constant 13 : i32
    %eq3A_148 = arith.cmpi eq, %sub3A_47, %eq3A_147 : i32
    %convert_element_type3A = arith.extui %eq3A_148 : i1 to i32
    %cond3A = arith.constant 0 : i32
    %cond3A_149 = arith.cmpi ne, %convert_element_type3A, %cond3A : i32
    scf.if %cond3A_149 {
      %multiple_of3A_165 = arith.constant 0 : i32
      %multiple_of3A_166 = tpu.assume_multiple %multiple_of3A_165, 8 : i32
      %multiple_of3A_167 = arith.constant 0 : i32
      %multiple_of3A_168 = tpu.assume_multiple %multiple_of3A_167, 1024 : i32
      %dma_wait3A_169 = tpu.memref_slice %arg2[%multiple_of3A_166, %multiple_of3A_168] : memref<200x16384xi32, #tpu.memory_space<hbm>> -> memref<8x1024xi32, #tpu.memory_space<hbm>>
      %dma_wait3A_170 = tpu.memref_slice %arg2[%multiple_of3A_166, %multiple_of3A_168] : memref<200x16384xi32, #tpu.memory_space<hbm>> -> memref<8x1024xi32, #tpu.memory_space<hbm>>
      tpu.wait_dma2 semaphore(%arg10 : memref<!tpu.dma_semaphore, #tpu.memory_space<semaphore_mem>>) src(%dma_wait3A_170 : memref<8x1024xi32, #tpu.memory_space<hbm>>) dst(%arg6 : memref<8x1024xi32, #tpu.memory_space<vmem>>)
      %multiple_of3A_171 = arith.constant 0 : i32
      %multiple_of3A_172 = tpu.assume_multiple %multiple_of3A_171, 8 : i32
      %multiple_of3A_173 = arith.constant 0 : i32
      %multiple_of3A_174 = tpu.assume_multiple %multiple_of3A_173, 8 : i32
      %dma_wait3A_175 = arith.constant 0 : i32
      %dma_wait3A_176 = tpu.memref_slice %arg4[%multiple_of3A_172, %multiple_of3A_174, %dma_wait3A_175] : memref<200x128x128xf32, #tpu.memory_space<hbm>> -> memref<8x8x128xf32, #tpu.memory_space<hbm>>
      %dma_wait3A_177 = arith.constant 0 : i32
      %dma_wait3A_178 = tpu.memref_slice %arg4[%multiple_of3A_172, %multiple_of3A_174, %dma_wait3A_177] : memref<200x128x128xf32, #tpu.memory_space<hbm>> -> memref<8x8x128xf32, #tpu.memory_space<hbm>>
      tpu.wait_dma2 semaphore(%arg12 : memref<!tpu.dma_semaphore, #tpu.memory_space<semaphore_mem>>) src(%arg8 : memref<8x8x128xf32, #tpu.memory_space<vmem>>) dst(%dma_wait3A_178 : memref<8x8x128xf32, #tpu.memory_space<hbm>>)
      %parallel_loop3A = arith.constant 0 : i32
      %parallel_loop3A_179 = arith.constant 64 : i32
      %parallel_loop3A_180 = arith.constant 1 : i32
      scf.for %parallel_loop3A_233 = %parallel_loop3A to %parallel_loop3A_179 step %parallel_loop3A_180  : i32 {
        %parallel_loop3A_234 = arith.constant 8 : i32
        %parallel_loop3A_235 = arith.divsi %parallel_loop3A_233, %parallel_loop3A_234 : i32
        %parallel_loop3A_236 = arith.constant 0 : i32
        %parallel_loop3A_237 = arith.cmpi sgt, %parallel_loop3A_233, %parallel_loop3A_236 : i32
        %parallel_loop3A_238 = arith.extui %parallel_loop3A_237 : i1 to i32
        %parallel_loop3A_239 = arith.constant 0 : i32
        %parallel_loop3A_240 = arith.cmpi slt, %parallel_loop3A_233, %parallel_loop3A_239 : i32
        %parallel_loop3A_241 = arith.extui %parallel_loop3A_240 : i1 to i32
        %parallel_loop3A_242 = arith.subi %parallel_loop3A_238, %parallel_loop3A_241 : i32
        %parallel_loop3A_243 = arith.constant 0 : i32
        %parallel_loop3A_244 = arith.cmpi sgt, %parallel_loop3A_234, %parallel_loop3A_243 : i32
        %parallel_loop3A_245 = arith.extui %parallel_loop3A_244 : i1 to i32
        %parallel_loop3A_246 = arith.constant 0 : i32
        %parallel_loop3A_247 = arith.cmpi slt, %parallel_loop3A_234, %parallel_loop3A_246 : i32
        %parallel_loop3A_248 = arith.extui %parallel_loop3A_247 : i1 to i32
        %parallel_loop3A_249 = arith.subi %parallel_loop3A_245, %parallel_loop3A_248 : i32
        %parallel_loop3A_250 = arith.cmpi ne, %parallel_loop3A_242, %parallel_loop3A_249 : i32
        %parallel_loop3A_251 = arith.remsi %parallel_loop3A_233, %parallel_loop3A_234 : i32
        %parallel_loop3A_252 = arith.constant 0 : i32
        %parallel_loop3A_253 = arith.cmpi ne, %parallel_loop3A_251, %parallel_loop3A_252 : i32
        %parallel_loop3A_254 = arith.andi %parallel_loop3A_250, %parallel_loop3A_253 : i1
        %parallel_loop3A_255 = arith.constant 1 : i32
        %parallel_loop3A_256 = arith.subi %parallel_loop3A_235, %parallel_loop3A_255 : i32
        %parallel_loop3A_257 = arith.select %parallel_loop3A_254, %parallel_loop3A_256, %parallel_loop3A_235 : i32
        %parallel_loop3A_258 = arith.constant 8 : i32
        %parallel_loop3A_259 = arith.constant 0 : i32
        %parallel_loop3A_260 = arith.cmpi eq, %parallel_loop3A_258, %parallel_loop3A_259 : i32
        %parallel_loop3A_261 = arith.constant 1 : i32
        %parallel_loop3A_262 = arith.select %parallel_loop3A_260, %parallel_loop3A_261, %parallel_loop3A_258 : i32
        %parallel_loop3A_263 = arith.remsi %parallel_loop3A_233, %parallel_loop3A_262 : i32
        %parallel_loop3A_264 = arith.constant 0 : i32
        %parallel_loop3A_265 = arith.cmpi ne, %parallel_loop3A_263, %parallel_loop3A_264 : i32
        %parallel_loop3A_266 = arith.constant 0 : i32
        %parallel_loop3A_267 = arith.cmpi slt, %parallel_loop3A_263, %parallel_loop3A_266 : i32
        %parallel_loop3A_268 = arith.constant 0 : i32
        %parallel_loop3A_269 = arith.cmpi slt, %parallel_loop3A_262, %parallel_loop3A_268 : i32
        %parallel_loop3A_270 = arith.xori %parallel_loop3A_267, %parallel_loop3A_269 : i1
        %parallel_loop3A_271 = arith.andi %parallel_loop3A_270, %parallel_loop3A_265 : i1
        %parallel_loop3A_272 = arith.addi %parallel_loop3A_263, %parallel_loop3A_262 : i32
        %parallel_loop3A_273 = arith.select %parallel_loop3A_271, %parallel_loop3A_272, %parallel_loop3A_263 : i32
        %parallel_loop3A_274 = arith.constant 128 : i32
        %parallel_loop3A_275 = arith.muli %parallel_loop3A_273, %parallel_loop3A_274 : i32
        %parallel_loop3A_276 = arith.constant 0 : i32
        %parallel_loop3A_277 = arith.addi %parallel_loop3A_275, %parallel_loop3A_276 : i32
        %parallel_loop3A_278 = arith.index_cast %parallel_loop3A_257 : i32 to index
        %parallel_loop3A_279 = arith.index_cast %parallel_loop3A_277 : i32 to index
        %parallel_loop3A_280 = tpu.vector_load %arg6[%parallel_loop3A_278, %parallel_loop3A_279] {strides = array<i32>} : memref<8x1024xi32, #tpu.memory_space<vmem>>, vector<16xi32>,
        %parallel_loop3A_281 = tpu.vector_load_idx %arg5[%parallel_loop3A_280] : memref<16xf32, #tpu.memory_space<vmem>>[vector<16xi32>], vector<16xf32>,
        %parallel_loop3A_282 = arith.index_cast %parallel_loop3A_257 : i32 to index
        %parallel_loop3A_283 = arith.index_cast %parallel_loop3A_273 : i32 to index
        %parallel_loop3A_284 = arith.constant 0 : index
        %parallel_loop3A_285 = tpu.vector_load %arg8[%parallel_loop3A_282, %parallel_loop3A_283, %parallel_loop3A_284] {strides = array<i32>} : memref<8x8x128xf32, #tpu.memory_space<vmem>>, vector<16xf32>,
        tpu.vector_store %arg8[%parallel_loop3A_282, %parallel_loop3A_283, %parallel_loop3A_284], %parallel_loop3A_281 {strides = array<i32>} : memref<8x8x128xf32, #tpu.memory_space<vmem>>, vector<16xf32>,
        %parallel_loop3A_286 = arith.constant 128 : i32
        %parallel_loop3A_287 = arith.muli %parallel_loop3A_273, %parallel_loop3A_286 : i32
        %parallel_loop3A_288 = arith.constant 16 : i32
        %parallel_loop3A_289 = arith.addi %parallel_loop3A_287, %parallel_loop3A_288 : i32
        %parallel_loop3A_290 = arith.index_cast %parallel_loop3A_257 : i32 to index
        %parallel_loop3A_291 = arith.index_cast %parallel_loop3A_289 : i32 to index
        %parallel_loop3A_292 = tpu.vector_load %arg6[%parallel_loop3A_290, %parallel_loop3A_291] {strides = array<i32>} : memref<8x1024xi32, #tpu.memory_space<vmem>>, vector<16xi32>,
        %parallel_loop3A_293 = tpu.vector_load_idx %arg5[%parallel_loop3A_292] : memref<16xf32, #tpu.memory_space<vmem>>[vector<16xi32>], vector<16xf32>,
        %parallel_loop3A_294 = arith.index_cast %parallel_loop3A_257 : i32 to index
        %parallel_loop3A_295 = arith.index_cast %parallel_loop3A_273 : i32 to index
        %parallel_loop3A_296 = arith.constant 16 : index
        %parallel_loop3A_297 = tpu.vector_load %arg8[%parallel_loop3A_294, %parallel_loop3A_295, %parallel_loop3A_296] {strides = array<i32>} : memref<8x8x128xf32, #tpu.memory_space<vmem>>, vector<16xf32>,
        tpu.vector_store %arg8[%parallel_loop3A_294, %parallel_loop3A_295, %parallel_loop3A_296], %parallel_loop3A_293 {strides = array<i32>} : memref<8x8x128xf32, #tpu.memory_space<vmem>>, vector<16xf32>,
        %parallel_loop3A_298 = arith.constant 128 : i32
        %parallel_loop3A_299 = arith.muli %parallel_loop3A_273, %parallel_loop3A_298 : i32
        %parallel_loop3A_300 = arith.constant 32 : i32
        %parallel_loop3A_301 = arith.addi %parallel_loop3A_299, %parallel_loop3A_300 : i32
        %parallel_loop3A_302 = arith.index_cast %parallel_loop3A_257 : i32 to index
        %parallel_loop3A_303 = arith.index_cast %parallel_loop3A_301 : i32 to index
        %parallel_loop3A_304 = tpu.vector_load %arg6[%parallel_loop3A_302, %parallel_loop3A_303] {strides = array<i32>} : memref<8x1024xi32, #tpu.memory_space<vmem>>, vector<16xi32>,
        %parallel_loop3A_305 = tpu.vector_load_idx %arg5[%parallel_loop3A_304] : memref<16xf32, #tpu.memory_space<vmem>>[vector<16xi32>], vector<16xf32>,
        %parallel_loop3A_306 = arith.index_cast %parallel_loop3A_257 : i32 to index
        %parallel_loop3A_307 = arith.index_cast %parallel_loop3A_273 : i32 to index
        %parallel_loop3A_308 = arith.constant 32 : index
        %parallel_loop3A_309 = tpu.vector_load %arg8[%parallel_loop3A_306, %parallel_loop3A_307, %parallel_loop3A_308] {strides = array<i32>} : memref<8x8x128xf32, #tpu.memory_space<vmem>>, vector<16xf32>,
        tpu.vector_store %arg8[%parallel_loop3A_306, %parallel_loop3A_307, %parallel_loop3A_308], %parallel_loop3A_305 {strides = array<i32>} : memref<8x8x128xf32, #tpu.memory_space<vmem>>, vector<16xf32>,
        %parallel_loop3A_310 = arith.constant 128 : i32
        %parallel_loop3A_311 = arith.muli %parallel_loop3A_273, %parallel_loop3A_310 : i32
        %parallel_loop3A_312 = arith.constant 48 : i32
        %parallel_loop3A_313 = arith.addi %parallel_loop3A_311, %parallel_loop3A_312 : i32
        %parallel_loop3A_314 = arith.index_cast %parallel_loop3A_257 : i32 to index
        %parallel_loop3A_315 = arith.index_cast %parallel_loop3A_313 : i32 to index
        %parallel_loop3A_316 = tpu.vector_load %arg6[%parallel_loop3A_314, %parallel_loop3A_315] {strides = array<i32>} : memref<8x1024xi32, #tpu.memory_space<vmem>>, vector<16xi32>,
        %parallel_loop3A_317 = tpu.vector_load_idx %arg5[%parallel_loop3A_316] : memref<16xf32, #tpu.memory_space<vmem>>[vector<16xi32>], vector<16xf32>,
        %parallel_loop3A_318 = arith.index_cast %parallel_loop3A_257 : i32 to index
        %parallel_loop3A_319 = arith.index_cast %parallel_loop3A_273 : i32 to index
        %parallel_loop3A_320 = arith.constant 48 : index
        %parallel_loop3A_321 = tpu.vector_load %arg8[%parallel_loop3A_318, %parallel_loop3A_319, %parallel_loop3A_320] {strides = array<i32>} : memref<8x8x128xf32, #tpu.memory_space<vmem>>, vector<16xf32>,
        tpu.vector_store %arg8[%parallel_loop3A_318, %parallel_loop3A_319, %parallel_loop3A_320], %parallel_loop3A_317 {strides = array<i32>} : memref<8x8x128xf32, #tpu.memory_space<vmem>>, vector<16xf32>,
        %parallel_loop3A_322 = arith.constant 128 : i32
        %parallel_loop3A_323 = arith.muli %parallel_loop3A_273, %parallel_loop3A_322 : i32
        %parallel_loop3A_324 = arith.constant 64 : i32
        %parallel_loop3A_325 = arith.addi %parallel_loop3A_323, %parallel_loop3A_324 : i32
        %parallel_loop3A_326 = arith.index_cast %parallel_loop3A_257 : i32 to index
        %parallel_loop3A_327 = arith.index_cast %parallel_loop3A_325 : i32 to index
        %parallel_loop3A_328 = tpu.vector_load %arg6[%parallel_loop3A_326, %parallel_loop3A_327] {strides = array<i32>} : memref<8x1024xi32, #tpu.memory_space<vmem>>, vector<16xi32>,
        %parallel_loop3A_329 = tpu.vector_load_idx %arg5[%parallel_loop3A_328] : memref<16xf32, #tpu.memory_space<vmem>>[vector<16xi32>], vector<16xf32>,
        %parallel_loop3A_330 = arith.index_cast %parallel_loop3A_257 : i32 to index
        %parallel_loop3A_331 = arith.index_cast %parallel_loop3A_273 : i32 to index
        %parallel_loop3A_332 = arith.constant 64 : index
        %parallel_loop3A_333 = tpu.vector_load %arg8[%parallel_loop3A_330, %parallel_loop3A_331, %parallel_loop3A_332] {strides = array<i32>} : memref<8x8x128xf32, #tpu.memory_space<vmem>>, vector<16xf32>,
        tpu.vector_store %arg8[%parallel_loop3A_330, %parallel_loop3A_331, %parallel_loop3A_332], %parallel_loop3A_329 {strides = array<i32>} : memref<8x8x128xf32, #tpu.memory_space<vmem>>, vector<16xf32>,
        %parallel_loop3A_334 = arith.constant 128 : i32
        %parallel_loop3A_335 = arith.muli %parallel_loop3A_273, %parallel_loop3A_334 : i32
        %parallel_loop3A_336 = arith.constant 80 : i32
        %parallel_loop3A_337 = arith.addi %parallel_loop3A_335, %parallel_loop3A_336 : i32
        %parallel_loop3A_338 = arith.index_cast %parallel_loop3A_257 : i32 to index
        %parallel_loop3A_339 = arith.index_cast %parallel_loop3A_337 : i32 to index
        %parallel_loop3A_340 = tpu.vector_load %arg6[%parallel_loop3A_338, %parallel_loop3A_339] {strides = array<i32>} : memref<8x1024xi32, #tpu.memory_space<vmem>>, vector<16xi32>,
        %parallel_loop3A_341 = tpu.vector_load_idx %arg5[%parallel_loop3A_340] : memref<16xf32, #tpu.memory_space<vmem>>[vector<16xi32>], vector<16xf32>,
        %parallel_loop3A_342 = arith.index_cast %parallel_loop3A_257 : i32 to index
        %parallel_loop3A_343 = arith.index_cast %parallel_loop3A_273 : i32 to index
        %parallel_loop3A_344 = arith.constant 80 : index
        %parallel_loop3A_345 = tpu.vector_load %arg8[%parallel_loop3A_342, %parallel_loop3A_343, %parallel_loop3A_344] {strides = array<i32>} : memref<8x8x128xf32, #tpu.memory_space<vmem>>, vector<16xf32>,
        tpu.vector_store %arg8[%parallel_loop3A_342, %parallel_loop3A_343, %parallel_loop3A_344], %parallel_loop3A_341 {strides = array<i32>} : memref<8x8x128xf32, #tpu.memory_space<vmem>>, vector<16xf32>,
        %parallel_loop3A_346 = arith.constant 128 : i32
        %parallel_loop3A_347 = arith.muli %parallel_loop3A_273, %parallel_loop3A_346 : i32
        %parallel_loop3A_348 = arith.constant 96 : i32
        %parallel_loop3A_349 = arith.addi %parallel_loop3A_347, %parallel_loop3A_348 : i32
        %parallel_loop3A_350 = arith.index_cast %parallel_loop3A_257 : i32 to index
        %parallel_loop3A_351 = arith.index_cast %parallel_loop3A_349 : i32 to index
        %parallel_loop3A_352 = tpu.vector_load %arg6[%parallel_loop3A_350, %parallel_loop3A_351] {strides = array<i32>} : memref<8x1024xi32, #tpu.memory_space<vmem>>, vector<16xi32>,
        %parallel_loop3A_353 = tpu.vector_load_idx %arg5[%parallel_loop3A_352] : memref<16xf32, #tpu.memory_space<vmem>>[vector<16xi32>], vector<16xf32>,
        %parallel_loop3A_354 = arith.index_cast %parallel_loop3A_257 : i32 to index
        %parallel_loop3A_355 = arith.index_cast %parallel_loop3A_273 : i32 to index
        %parallel_loop3A_356 = arith.constant 96 : index
        %parallel_loop3A_357 = tpu.vector_load %arg8[%parallel_loop3A_354, %parallel_loop3A_355, %parallel_loop3A_356] {strides = array<i32>} : memref<8x8x128xf32, #tpu.memory_space<vmem>>, vector<16xf32>,
        tpu.vector_store %arg8[%parallel_loop3A_354, %parallel_loop3A_355, %parallel_loop3A_356], %parallel_loop3A_353 {strides = array<i32>} : memref<8x8x128xf32, #tpu.memory_space<vmem>>, vector<16xf32>,
        %parallel_loop3A_358 = arith.constant 128 : i32
        %parallel_loop3A_359 = arith.muli %parallel_loop3A_273, %parallel_loop3A_358 : i32
        %parallel_loop3A_360 = arith.constant 112 : i32
        %parallel_loop3A_361 = arith.addi %parallel_loop3A_359, %parallel_loop3A_360 : i32
        %parallel_loop3A_362 = arith.index_cast %parallel_loop3A_257 : i32 to index
        %parallel_loop3A_363 = arith.index_cast %parallel_loop3A_361 : i32 to index
        %parallel_loop3A_364 = tpu.vector_load %arg6[%parallel_loop3A_362, %parallel_loop3A_363] {strides = array<i32>} : memref<8x1024xi32, #tpu.memory_space<vmem>>, vector<16xi32>,
        %parallel_loop3A_365 = tpu.vector_load_idx %arg5[%parallel_loop3A_364] : memref<16xf32, #tpu.memory_space<vmem>>[vector<16xi32>], vector<16xf32>,
        %parallel_loop3A_366 = arith.index_cast %parallel_loop3A_257 : i32 to index
        %parallel_loop3A_367 = arith.index_cast %parallel_loop3A_273 : i32 to index
        %parallel_loop3A_368 = arith.constant 112 : index
        %parallel_loop3A_369 = tpu.vector_load %arg8[%parallel_loop3A_366, %parallel_loop3A_367, %parallel_loop3A_368] {strides = array<i32>} : memref<8x8x128xf32, #tpu.memory_space<vmem>>, vector<16xf32>,
        tpu.vector_store %arg8[%parallel_loop3A_366, %parallel_loop3A_367, %parallel_loop3A_368], %parallel_loop3A_365 {strides = array<i32>} : memref<8x8x128xf32, #tpu.memory_space<vmem>>, vector<16xf32>,
      } {sc.loop_unroll_factor = 1 : i64, sc.parallel_access}
      %add3A_181 = arith.constant 12 : i32
      %add3A_182 = arith.addi %select_n3A, %add3A_181 : i32
      %jit3A_183 = arith.constant 16 : i32
      %div3A_184 = arith.divsi %add3A_182, %jit3A_183 : i32
      %sign3A_185 = arith.constant 0 : i32
      %sign3A_186 = arith.cmpi sgt, %add3A_182, %sign3A_185 : i32
      %sign3A_187 = arith.extui %sign3A_186 : i1 to i32
      %sign3A_188 = arith.constant 0 : i32
      %sign3A_189 = arith.cmpi slt, %add3A_182, %sign3A_188 : i32
      %sign3A_190 = arith.extui %sign3A_189 : i1 to i32
      %sign3A_191 = arith.subi %sign3A_187, %sign3A_190 : i32
      %sign3A_192 = arith.constant 0 : i32
      %sign3A_193 = arith.cmpi sgt, %jit3A_183, %sign3A_192 : i32
      %sign3A_194 = arith.extui %sign3A_193 : i1 to i32
      %sign3A_195 = arith.constant 0 : i32
      %sign3A_196 = arith.cmpi slt, %jit3A_183, %sign3A_195 : i32
      %sign3A_197 = arith.extui %sign3A_196 : i1 to i32
      %sign3A_198 = arith.subi %sign3A_194, %sign3A_197 : i32
      %ne3A_199 = arith.cmpi ne, %sign3A_191, %sign3A_198 : i32
      %rem3A_200 = arith.remsi %add3A_182, %jit3A_183 : i32
      %ne3A_201 = arith.constant 0 : i32
      %ne3A_202 = arith.cmpi ne, %rem3A_200, %ne3A_201 : i32
      %and3A_203 = arith.andi %ne3A_199, %ne3A_202 : i1
      %sub3A_204 = arith.constant 1 : i32
      %sub3A_205 = arith.subi %div3A_184, %sub3A_204 : i32
      %select_n3A_206 = arith.select %and3A_203, %sub3A_205, %div3A_184 : i32
      %jit3A_207 = arith.constant 16 : i32
      %eq3A_208 = arith.constant 0 : i32
      %eq3A_209 = arith.cmpi eq, %jit3A_207, %eq3A_208 : i32
      %jit3A_210 = arith.constant 1 : i32
      %select_n3A_211 = arith.select %eq3A_209, %jit3A_210, %jit3A_207 : i32
      %rem3A_212 = arith.remsi %add3A_182, %select_n3A_211 : i32
      %ne3A_213 = arith.constant 0 : i32
      %ne3A_214 = arith.cmpi ne, %rem3A_212, %ne3A_213 : i32
      %lt3A_215 = arith.constant 0 : i32
      %lt3A_216 = arith.cmpi slt, %rem3A_212, %lt3A_215 : i32
      %lt3A_217 = arith.constant 0 : i32
      %lt3A_218 = arith.cmpi slt, %select_n3A_211, %lt3A_217 : i32
      %ne3A_219 = arith.xori %lt3A_216, %lt3A_218 : i1
      %and3A_220 = arith.andi %ne3A_219, %ne3A_214 : i1
      %add3A_221 = arith.addi %rem3A_212, %select_n3A_211 : i32
      %select_n3A_222 = arith.select %and3A_220, %add3A_221, %rem3A_212 : i32
      %mul3A_223 = arith.constant 8 : i32
      %mul3A_224 = arith.muli %select_n3A_206, %mul3A_223 : i32
      %multiple_of3A_225 = tpu.assume_multiple %mul3A_224, 8 : i32
      %mul3A_226 = arith.constant 8 : i32
      %mul3A_227 = arith.muli %select_n3A_222, %mul3A_226 : i32
      %multiple_of3A_228 = tpu.assume_multiple %mul3A_227, 8 : i32
      %dma_start3A_229 = arith.constant 0 : i32
      %dma_start3A_230 = tpu.memref_slice %arg4[%multiple_of3A_225, %multiple_of3A_228, %dma_start3A_229] : memref<200x128x128xf32, #tpu.memory_space<hbm>> -> memref<8x8x128xf32, #tpu.memory_space<hbm>>
      %dma_start3A_231 = arith.constant 0 : i32
      %dma_start3A_232 = tpu.memref_slice %arg4[%multiple_of3A_225, %multiple_of3A_228, %dma_start3A_231] : memref<200x128x128xf32, #tpu.memory_space<hbm>> -> memref<8x8x128xf32, #tpu.memory_space<hbm>>
      tpu.enqueue_dma source(%arg8 : memref<8x8x128xf32, #tpu.memory_space<vmem>>) target(%dma_start3A_232 : memref<8x8x128xf32, #tpu.memory_space<hbm>>) target_semaphore(%arg12 : memref<!tpu.dma_semaphore, #tpu.memory_space<semaphore_mem>>)
    } else {
    }
    %multiple_of3A_150 = arith.constant 0 : i32
    %multiple_of3A_151 = tpu.assume_multiple %multiple_of3A_150, 8 : i32
    %multiple_of3A_152 = arith.constant 0 : i32
    %multiple_of3A_153 = tpu.assume_multiple %multiple_of3A_152, 8 : i32
    %dma_wait3A = arith.constant 0 : i32
    %dma_wait3A_154 = tpu.memref_slice %arg4[%multiple_of3A_151, %multiple_of3A_153, %dma_wait3A] : memref<200x128x128xf32, #tpu.memory_space<hbm>> -> memref<8x8x128xf32, #tpu.memory_space<hbm>>
    %dma_wait3A_155 = arith.constant 0 : i32
    %dma_wait3A_156 = tpu.memref_slice %arg4[%multiple_of3A_151, %multiple_of3A_153, %dma_wait3A_155] : memref<200x128x128xf32, #tpu.memory_space<hbm>> -> memref<8x8x128xf32, #tpu.memory_space<hbm>>
    tpu.wait_dma2 semaphore(%arg12 : memref<!tpu.dma_semaphore, #tpu.memory_space<semaphore_mem>>) src(%arg8 : memref<8x8x128xf32, #tpu.memory_space<vmem>>) dst(%dma_wait3A_156 : memref<8x8x128xf32, #tpu.memory_space<hbm>>)
    %multiple_of3A_157 = arith.constant 0 : i32
    %multiple_of3A_158 = tpu.assume_multiple %multiple_of3A_157, 8 : i32
    %multiple_of3A_159 = arith.constant 0 : i32
    %multiple_of3A_160 = tpu.assume_multiple %multiple_of3A_159, 8 : i32
    %dma_wait3A_161 = arith.constant 0 : i32
    %dma_wait3A_162 = tpu.memref_slice %arg4[%multiple_of3A_158, %multiple_of3A_160, %dma_wait3A_161] : memref<200x128x128xf32, #tpu.memory_space<hbm>> -> memref<8x8x128xf32, #tpu.memory_space<hbm>>
    %dma_wait3A_163 = arith.constant 0 : i32
    %dma_wait3A_164 = tpu.memref_slice %arg4[%multiple_of3A_158, %multiple_of3A_160, %dma_wait3A_163] : memref<200x128x128xf32, #tpu.memory_space<hbm>> -> memref<8x8x128xf32, #tpu.memory_space<hbm>>
    tpu.wait_dma2 semaphore(%arg13 : memref<!tpu.dma_semaphore, #tpu.memory_space<semaphore_mem>>) src(%arg9 : memref<8x8x128xf32, #tpu.memory_space<vmem>>) dst(%dma_wait3A_164 : memref<8x8x128xf32, #tpu.memory_space<hbm>>)
    return
  }
}

</mosaic_0001>

<sc_bundles>
// kernel: kernel.3.cloned.1.call-start
scs
__scs_entry_jumppad:
0x0: {  	(pc) =	sbr.rel $0x88, $3  }
0x1: {  	(tag) =	ssettag $0x0;
	lr =	simm.s32 $0x1  }
0x2: {  	[smem:$0x3F9F] =	sst lr;
	_ =	strace $0xD0000000  }
0x3: {  	_ = 	snop  }
0x4: {  	_ = 	snop  }
0x5: {  	_ = 	snop  }
0x6: {  	_ = 	snop  }
0x7: {  	_ = 	snop  }
__scs_overlays_trampoline_lowered:
0x8: {  	[smem:$0x3FAE] =	sst s0  }
0x9: {  	[smem:$0x3FAF] =	sst s1  }
0xa: {  	[smem:$0x3FB0] =	sst s2  }
0xb: {  	[smem:$0x3FB1] =	sst s3  }
0xc: {  	[smem:$0x3FB2] =	sst s4  }
0xd: {  	[smem:$0x3FB3] =	sst s5  }
0xe: {  	[smem:$0x3FB4] =	sst s6  }
0xf: {  	[smem:$0x3FB5] =	sst s7  }
0x10: {  	[smem:$0x3FB6] =	sst s8  }
0x11: {  	[smem:$0x3FB7] =	sst s9;
	s0 =	simm.s32 @!p0 $0x0  }
0x12: {  	s1 =	sld [smem:$0x3F9D];
	s0 =	simm.s32 @p0 $0x1  }
0x13: {  	[smem:$0x3FB8] =	sst s0;
	s0 =	simm.s32 @!p1 $0x0  }
0x14: {  	s2 =	sld [smem:$0x3F9C];
	s0 =	simm.s32 @p1 $0x1  }
0x15: {  	[smem:$0x3FB9] =	sst s0;
	s0 =	simm.s32 @!p2 $0x0  }
0x16: {  	s3 =	sld [smem:$0x3FDB];
	s0 =	simm.s32 @p2 $0x1  }
0x17: {  	s4 =	simm.s32 $0x1BF5;
	[smem:$0x3FBB] =	sst s0  }
0x18: {  	s0 =	sld [smem:$0x3F9E];
	_ =	swait.ge [sflag:s4], $0x0  }
0x19: {  	s7 =	sld [smem:$0x3F9F]  }
0x1a: {  	s8 =	sadd.s32 $0xFFFFE003, lr  }
0x1b: {  	s9 =	sadd.s32 $0xFFFFFEF7, lr;
	s5 =	simm.s32 $0xFFFFFFFF;
	p2 =	slt.u32 s8, $0xFFFFF086  }
0x1c: {  	p1 =	slt.u32 s9, $0xF7A;
	s5 =	simm.s32 @!p2 $0x0  }
0x1d: {  	s5 =	simm.s32 @p1 $0x1;
	p0 =	seq.s32 s7, s2  }
0x1e: {  	s7 =	smul.u32 @!p0 $0xF7A, s2;
	p2 =	seq.s32 @!p0 s5, $0x0  }
0x1f: {  	s9 =	smul.u32 $0xF7A, s1;
	s8 =	simm.s32 @!p0 $0x1BF5;
	p2 =	por !p2, p0  }
0x20: {  	[sflag:s8] =	ssyncset.s32 @!p0 $0xFFFFF086;
	s6 =	sadd.s32 @!p0 s3, s7;
	s7 =	simm.s32 @!p0 $0x108  }
0x21: {  	s3 =	sadd.s32 s3, s9;
	s6 =	sadd.s32 @!p0 $0x88, s6;
	s7 =	simm.s32 @p2 $0x1082  }
0x22: {  	[simem:s7], [sflag:s8] =	dma.local @!p0 [hbm:s6], $0xF7A  }
0x23: {  	s9 =	sor.u32 $0xD0000000, s2;
	s6 =	simm.s32 $0x108;
	_ =	swait.ge @!p0 [sflag:s8], $0x0  }
0x24: {  	s3 =	sadd.s32 $0x88, s3;
	s6 =	simm.s32 @!p1 $0x1082;
	[sflag:s4] =	ssyncset.s32 $0xFFFFF086  }
0x25: {  	[simem:s6], [sflag:s4] =	dma.local [hbm:s3], $0xF7A  }
0x26: {  	[smem:$0x3F9F] =	sst s1;
	(tag) =	ssettag s2;
	_ =	strace s9  }
0x27: {  	s1 =	sld [smem:$0x3FAF]  }
0x28: {  	s2 =	sld [smem:$0x3FB0]  }
0x29: {  	s4 =	sld [smem:$0x3FB2]  }
0x2a: {  	p0 =	seq.s32 s5, $0x0;
	s5 =	sld [smem:$0x3FB3]  }
0x2b: {  	s6 =	sld [smem:$0x3FB4]  }
0x2c: {  	s7 =	sld [smem:$0x3FB5]  }
0x2d: {  	s3 =	simm.s32 $0x108;
	s8 =	sld [smem:$0x3FB6]  }
0x2e: {  	s3 =	simm.s32 @!p0 $0x1082;
	s9 =	sld [smem:$0x3FB7]  }
0x2f: {  	lr =	sadd.s32 s0, s3;
	s0 =	sld [smem:$0x3FAE]  }
0x30: {  	s3 =	sld [smem:$0x3FB1]  }
0x31: {  	[smem:$0x3FBA] =	sst s10  }
0x32: {  	s10 =	sld [smem:$0x3FB8];
	_ =	sdelay $0x3  }
0x33: {  	p0 =	seq.s32 s10, $0x1;
	s10 =	sld [smem:$0x3FBA];
	_ =	sdelay $0x3  }
0x34: {  	[smem:$0x3FBA] =	sst s10  }
0x35: {  	s10 =	sld [smem:$0x3FB9];
	_ =	sdelay $0x3  }
0x36: {  	p1 =	seq.s32 s10, $0x1;
	s10 =	sld [smem:$0x3FBA];
	_ =	sdelay $0x3  }
0x37: {  	[smem:$0x3FBA] =	sst s10  }
0x38: {  	s10 =	sld [smem:$0x3FBB]  }
0x39: {  	_ = 	snop;
	(pc) =	sbr.ind lr, $3  }
0x3a: {  	_ = 	snop  }
0x3b: {  	_ = 	snop  }
0x3c: {  	p2 =	seq.s32 s10, $0x1;
	s10 =	sld [smem:$0x3FBA]  }
0x3d: {  	_ =	shalt  }
0x3e: {  	_ =	shalt  }
0x3f: {  	_ =	shalt  }
0x40: {  	_ =	shalt  }
0x41: {  	_ =	shalt  }
0x42: {  	_ =	shalt  }
0x43: {  	_ =	shalt  }
0x44: {  	_ =	shalt  }
0x45: {  	_ =	shalt  }
0x46: {  	_ =	shalt  }
0x47: {  	_ =	shalt  }
0x48: {  	_ =	shalt  }
0x49: {  	_ =	shalt  }
0x4a: {  	_ =	shalt  }
0x4b: {  	_ =	shalt  }
0x4c: {  	_ =	shalt  }
0x4d: {  	_ =	shalt  }
0x4e: {  	_ =	shalt  }
0x4f: {  	_ =	shalt  }
0x50: {  	_ =	shalt  }
0x51: {  	_ =	shalt  }
0x52: {  	_ =	shalt  }
0x53: {  	_ =	shalt  }
0x54: {  	_ =	shalt  }
0x55: {  	_ =	shalt  }
0x56: {  	_ =	shalt  }
0x57: {  	_ =	shalt  }
0x58: {  	_ =	shalt  }
0x59: {  	_ =	shalt  }
0x5a: {  	_ =	shalt  }
0x5b: {  	_ =	shalt  }
0x5c: {  	_ =	shalt  }
0x5d: {  	_ =	shalt  }
0x5e: {  	_ =	shalt  }
0x5f: {  	_ =	shalt  }
0x60: {  	_ =	shalt  }
0x61: {  	_ =	shalt  }
0x62: {  	_ =	shalt  }
0x63: {  	_ =	shalt  }
0x64: {  	_ =	shalt  }
0x65: {  	_ =	shalt  }
0x66: {  	_ =	shalt  }
0x67: {  	_ =	shalt  }
0x68: {  	_ =	shalt  }
0x69: {  	_ =	shalt  }
0x6a: {  	_ =	shalt  }
0x6b: {  	_ =	shalt  }
0x6c: {  	_ =	shalt  }
0x6d: {  	_ =	shalt  }
0x6e: {  	_ =	shalt  }
0x6f: {  	_ =	shalt  }
0x70: {  	_ =	shalt  }
0x71: {  	_ =	shalt  }
0x72: {  	_ =	shalt  }
0x73: {  	_ =	shalt  }
0x74: {  	_ =	shalt  }
0x75: {  	_ =	shalt  }
0x76: {  	_ =	shalt  }
0x77: {  	_ =	shalt  }
0x78: {  	_ =	shalt  }
0x79: {  	_ =	shalt  }
0x7a: {  	_ =	shalt  }
0x7b: {  	_ =	shalt  }
0x7c: {  	_ =	shalt  }
0x7d: {  	_ =	shalt  }
0x7e: {  	_ =	shalt  }
0x7f: {  	_ =	shalt  }
0x80: {  	_ =	shalt  }
0x81: {  	_ =	shalt  }
0x82: {  	_ =	shalt  }
0x83: {  	_ =	shalt  }
0x84: {  	_ =	shalt  }
0x85: {  	_ =	shalt  }
0x86: {  	_ =	shalt  }
0x87: {  	_ =	shalt  }
.Lfunc_end0:
.L_simem_size_0:
called_computation_lowered:
.L_overlay_start_0:
0x88: {  	s2 =	sld [smem:$0x3FD9]  }
0x89: {  	s3 =	sld [smem:$0x3FFE];
	_ =	sdelay $0x1  }
0x8a: {  	s1 =	srdreg.scid  }
0x8b: {  	s0 =	sand.u32 $0x1, s1  }
0x8c: {  	s17 =	sshll.u32 s0, $0xA;
	s2 =	sadd.s32 s3, s2  }
0x8d: {  	s2 =	sadd.s32 s2, s17  }
0x8e: {  	[smem:$0x3FC6] =	sst s2  }
0x8f: {  	_ = 	snop  }
0x90: {  	s2 =	sld [smem:$0x3FC9]  }
0x91: {  	s18 =	sld [smem:$0x3FD0];
	(tm) =	ssettm $0x1  }
0x92: {  	s4 =	sld [smem:$0x3FFB];
	_ =	sdelay $0x3  }
0x93: {  	_ =	strace s4  }
0x94: {  	s4 =	sld [smem:$0x3FFC];
	_ =	sdelay $0x3  }
0x95: {  	_ =	strace s4  }
0x96: {  	s4 =	sld [smem:$0x3FFD];
	_ =	sdelay $0x3  }
0x97: {  	_ =	strace s4  }
0x98: {  	_ =	strace $0x8FFFFFFF  }
0x99: {  	s19 =	sld [smem:$0x3FDB];
	_ =	sdelay $0x1  }
0x9a: {  	s5 =	simm.s32 $_scs_section_size  }
0x9b: {  	s6 =	simm.s32 $_size__tile_overlayer_lowered;
	s7 =	simm.s32 $_tile_overlayer_lowered  }
0x9c: {  	s22 =	simm.s32 $0x1BFF;
	s21 =	sshll.u32 s7, $0x1;
	s4 =	sadd.s32 s5, s19  }
0x9d: {  	s8 =	simm.s32 $0x0;
	s20 =	sshll.u32 s6, $0x1;
	s6 =	sadd.s32 s21, s4  }
0x9e: {  	[timem:s8], [sflag:s22] =	dma.local [hbm:s6], s20  }
0x9f: {  	_ =	swait.ge [sflag:s22], s20  }
0xa0: {  	s5 =	ssub.s32 $0x0, s20;
	[sflag:s22] =	ssyncset.done $0x0  }
0xa1: {  	[sflag:s22] =	ssyncadd.s32 s5;
	_ =	sdelay $0x1  }
0xa2: {  	s23 =	simm.s32 $0x1B8B  }
0xa3: {  	_ =	swait.ge [sflag:s23], $0x1  }
0xa4: {  	[sflag:s23] =	ssyncset.done $0x0  }
0xa5: {  	s25 =	simm.s32 $0x1B8E;
	s24 =	sld [smem:$0x3FFE];
	[sflag:s23] =	ssyncadd.s32 $0xFFFFFFFF  }
0xa6: {  	s26 =	simm.s32 $execute0_lowered;
	[smem:$0x3FD2] =	sst s25  }
0xa7: {  	s6 =	sshll.u32 s26, $0x1;
	_ =	strace $0x80000046;
	[dreg:$0x1] =	wrdreg $0xFFFFFFFF  }
0xa8: {  	s28 =	simm.s32 $_size_execute0_lowered;
	s4 =	sadd.s32 s4, s6;
	[dreg:$0x0] =	wrdreg $0x0  }
0xa9: {  	s6 =	sshll.u32 s28, $0x1;
	[dreg:$0x2] =	wrdreg s4  }
0xaa: {  	[dreg:$0x3] =	wrdreg s6  }
0xab: {  	[dreg:$0x4] =	wrdreg $0xC0  }
0xac: {  	_ =	task [dreg:s8], $0x5FFFF  }
0xad: {  	[dreg:$0x1] =	wrdreg $0xFFFFFFFF  }
0xae: {  	[dreg:$0x0] =	wrdreg $0x60  }
0xaf: {  	[dreg:$0x2] =	wrdreg s2  }
0xb0: {  	[dreg:$0x3] =	wrdreg s24  }
0xb1: {  	[dreg:$0x4] =	wrdreg s18  }
0xb2: {  	[dreg:$0x5] =	wrdreg $0x9  }
0xb3: {  	_ =	task.clear_ibuf [dreg:s8], $0x6FFFF;
	_ =	strace $0x90000046  }
0xb4: {  	s29 =	simm.s32 $0x9;
	_ =	strace $0x80000048  }
0xb5: {  	_ =	swait.ge [sflag:s29], $0x1  }
0xb6: {  	[sflag:s29] =	ssyncadd.s32 $0xFFFFFFFF  }
0xb7: {  	_ =	strace $0x90000048  }
0xb8: {  	_ =	sfence  }
0xb9: {  	s30 =	sld [smem:$0x0];
	_ =	sdelay $0x2  }
0xba: {  	s31 =	sshll.u32 s1, $0xD;
	s1 =	sshrl.u32 s1, $0x2  }
0xbb: {  	s3 =	sand.u32 $0x4000, s31;
	s1 =	sadd.s32 s1, s30  }
0xbc: {  	s0 =	sor.u32 s3, s0;
	s1 =	sshll.u32 s1, $0x11  }
0xbd: {  	s0 =	sor.u32 s1, s0  }
0xbe: {  	s0 =	sadd.s32 $0x8F2B, s0  }
0xbf: {  	[sflag:s0] =	ssyncadd.remote.s32 $0x1  }
0xc0: {  	_ =	sfence.sel $0xFFFF  }
0xc1: {  	[dreg:$0x0] =	wrdreg $0xFFFFFFFF;
	(pc) =	sbr.abs _section_cstart, $3  }
0xc2: {  	[dreg:$0x1] =	wrdreg $0xFFFFFFFF  }
0xc3: {  	_ =	task.clear_ibuf [dreg:s8], $0x2FFFF;
	_ =	strace $0x9FFFFFFF  }
0xc4: {  	(tm) =	ssettm $0x7FFFFFFF  }
0xc5: {  	_ =	shalt  }
tec
execute0_lowered:
.L_overlay_start_1:
0x0: {  	(tag) =	ssettag $0x1  }
0x1: {  	s0 =	rddreg [dreg:$0x0]  }
0x2: {  	s1 =	rddreg [dreg:$0x1]  }
0x3: {  	s6 =	rddreg [dreg:$0x2]  }
0x4: {  	s2 =	srdreg.scid;
	s4 =	stileid.u32  }
0x5: {  	s3 =	simm.s32 $0x0;
	s17 =	simm.s32 $0x1;
	s18 =	simm.s32 $0x400  }
0x6: {  	s2 =	sand.u32 $0x1, s2;
	s4 =	sshll.u32 s4, $0x1;
	[smem:$0x7FF] =	sst s3  }
0x7: {  	s1 =	sadd.s32 $0x400, s1;
	s28 =	sadd.s32 $0x800, s0;
	s11 =	sadd.s32 $0xC00, s0  }
0x8: {  	s9 =	smov.u32 s6;
	s4 =	sor.u32 s2, s4;
	_ =	strace $0x80000047  }
0x9: {  	s2 =	ssub.s32 $0x2, s2;
	[dreg:$0x4] =	wrdreg s1;
	s5 =	smul.u32 $0x190, s4  }
0xa: {  	[dreg:$0x9] =	wrdreg s28;
	s19 =	sshrl.u32 s2, $0x1;
	s4 =	smul.u32 $0x19000, s4  }
0xb: {  	s1 =	ssub.s32 s2, s19;
	s19 =	simm.s32 $0x4000;
	s7 =	sshrl.u32 s5, $0x5  }
0xc: {  	s20 =	sshll.u32 s5, $0x8;
	s5 =	sadd.s32 $0x190, s5;
	s4 =	sand.u32 $0x3E0000, s4  }
0xd: {  	s31 =	smax.u32 s1, $0x1;
	s2 =	sand.u32 $0x1E000, s20;
	s5 =	sshrl.u32 s5, $0x5  }
0xe: {  	s21 =	sshll.u32 s7, $0xA;
	s10 =	smov.u32 s7;
	s23 =	sadd.s32 $0xC, s7  }
0xf: {  	[dreg:$0xb] =	wrdreg s31;
	s2 =	sor.u32 s4, s2;
	s5 =	ssub.s32 s5, s7  }
0x10: {  	s4 =	sadd.s32 s21, s0;
	s26 =	sshll.u32 s23, $0x7;
	s2 =	sshrl.u32 s2, $0x3  }
0x11: {  	s22 =	sadd.s32 $0x400, s4;
	s24 =	sadd.s32 $0xFFFFFFFE, s5;
	s25 =	sadd.s32 $0xFFFFFFFD, s5  }
.Ltmp0:
0x12: {  	s2 =	sadd.s32 s0, s2;
	[dreg:$0x6] =	wrdreg s22;
	(pc) =	sbr.rel .LBB2_1-.Ltmp0, $4  }
0x13: {  	s4 =	sand.u32 $0x780, s26;
	[dreg:$0x5] =	wrdreg s2;
	s2 =	sshll.u32 s23, $0xA  }
0x14: {  	[dreg:$0x7] =	wrdreg s24;
	s30 =	sadd.s32 s6, s4;
	s29 =	sand.u32 $0xFFFC000, s2  }
0x15: {  	s21 =	simm.s32 $0x2;
	[dreg:$0x8] =	wrdreg s25;
	s0 =	sadd.s32 s29, s30  }
0x16: {  	p0 =	sne.s32 s5, $0xD;
	s2 =	simm.s32 $0x0;
	[dreg:$0xa] =	wrdreg s0  }
.LBB2_11:
0x17: {  	s0 =	simm.s32 $0x3  }
0x18: {  	_ =	swait.ge [sflag:s0], $0x2000  }
0x19: {  	[sflag:s0] =	ssyncset.done $0x0  }
0x1a: {  	s1 =	simm.s32 $0x4;
	[sflag:s0] =	ssyncadd.s32 $0xFFFFE000  }
0x1b: {  	_ =	swait.ge [sflag:s1], $0x2000  }
0x1c: {  	s2 =	sadd.s32 $0x1, s2;
	s31 =	rddreg [dreg:$0xb]  }
0x1d: {  	p1 =	sne.s32 s2, s31  }
.Ltmp1:
0x1e: {  	_ = 	snop;
	(pc) =	sbr.rel @!p1 .LBB2_12-.Ltmp1, $3  }
0x1f: {  	_ =	sdelay $0x1  }
0x20: {  	[sflag:s1] =	ssyncset.done $0x0  }
0x21: {  	[sflag:s1] =	ssyncadd.s32 $0xFFFFE000  }
.LBB2_1:
0x22: {  	[dreg:$0xc] =	wrdreg s2  }
0x23: {  	s0 =	rddreg [dreg:$0x5];
	s1 =	simm.s32 $0x80  }
0x24: {  	[tilespmem:s1], [sflag:$0x1] =	stream.linear.gather [hbm4b:s0+s3], $0x2000, $0x38;
	[tilespmem:$0x8080] =	vst v63  }
0x25: {  	s28 =	rddreg [dreg:$0x6];
	s29 =	simm.s32 $0x2080  }
0x26: {  	[tilespmem:s29], [sflag:$0x2] =	stream.linear.gather [hbm4b:s28+s3], $0x2000, $0x38;
	[tilespmem:$0x8080] =	vst v63  }
0x27: {  	s30 =	rddreg [dreg:$0x4];
	s31 =	simm.s32 $0x5  }
0x28: {  	[tilespmem:s3], [sflag:$0x5] =	stream.linear.gather [hbm4b:s30+s3], $0x80, $0x38;
	[tilespmem:$0x8080] =	vst v63  }
0x29: {  	_ =	swait.ge [sflag:s31], $0x80  }
0x2a: {  	[sflag:s31] =	ssyncset.done $0x0  }
0x2b: {  	s26 =	simm.s32 $0x0;
	[sflag:s31] =	ssyncadd.s32 $0xFFFFFF80  }
.LBB2_2:
0x2c: {  	_ =	swait.ge [sflag:s17], $0x2000  }
0x2d: {  	p1 =	seq.s32 s26, $0x0;
	[sflag:s17] =	ssyncset.done $0x0  }
0x2e: {  	s1 =	simm.s32 $0x0;
	s0 =	simm.s32 @!p1 $0x3;
	[sflag:s17] =	ssyncadd.s32 $0xFFFFE000  }
0x2f: {  	s2 =	simm.s32 $0x0;
	s1 =	sand.u32 $0x380, s1;
	_ =	swait.ge @!p1 [sflag:s0], $0x2000  }
0x30: {  	s2 =	sand.u32 $0x3FFFFF80, s2;
	s4 =	sshll.u32 s1, $0x3;
	[sflag:s0] =	ssyncset.done @!p1 $0x0  }
0x31: {  	s23 =	sadd.s32 s2, s4;
	[sflag:s0] =	ssyncadd.s32 @!p1 $0xFFFFE000  }
0x32: {  	v0 =	vld [tilespmem:s23+$0x80];
	_ =	sdelay $0x7  }
0x33: {  	v0 =	vld.idx.msk [tilespmem:v0+s3+$0x0], $0xffff;
	_ =	sdelay $0x1  }
0x34: {  	s2 =	simm.s32 $0x0  }
0x35: {  	s4 =	simm.s32 $0x80;
	s0 =	sand.u32 $0x3FFFFC00, s2  }
0x36: {  	s5 =	simm.s32 $0x10;
	s2 =	sand.u32 $0x380, s4;
	s30 =	sor.u32 s1, s0  }
0x37: {  	s7 =	sand.u32 $0x3FFFFF80, s5;
	s6 =	sshll.u32 s2, $0x3;
	[tilespmem:s30+$0x4080] =	vst v0  }
0x38: {  	s1 =	sadd.s32 s7, s6;
	v0 =	vld [tilespmem:s23+$0x90]  }
0x39: {  	v1 =	vld [tilespmem:s1+$0x80];
	_ =	sdelay $0x6  }
0x3a: {  	v0 =	vld.idx.msk [tilespmem:v0+s3+$0x0], $0xffff  }
0x3b: {  	v1 =	vld.idx.msk [tilespmem:v1+s3+$0x0], $0xffff;
	_ =	sdelay $0x1  }
0x3c: {  	s8 =	simm.s32 $0x80  }
0x3d: {  	s12 =	simm.s32 $0x100;
	s0 =	sand.u32 $0x3FFFFC00, s8  }
0x3e: {  	s5 =	simm.s32 $0x20;
	s4 =	sand.u32 $0x380, s12;
	s31 =	sor.u32 s2, s0;
	[tilespmem:s30+$0x4090] =	vst v0  }
0x3f: {  	s14 =	sand.u32 $0x3FFFFF80, s5;
	s13 =	sshll.u32 s4, $0x3;
	[tilespmem:s31+$0x4080] =	vst v1;
	v0 =	vld [tilespmem:s23+$0xA0]  }
0x40: {  	s14 =	sadd.s32 s14, s13;
	v1 =	vld [tilespmem:s1+$0x90]  }
0x41: {  	v2 =	vld [tilespmem:s14+$0x80];
	_ =	sdelay $0x5  }
0x42: {  	v0 =	vld.idx.msk [tilespmem:v0+s3+$0x0], $0xffff  }
0x43: {  	v1 =	vld.idx.msk [tilespmem:v1+s3+$0x0], $0xffff  }
0x44: {  	v2 =	vld.idx.msk [tilespmem:v2+s3+$0x0], $0xffff;
	_ =	sdelay $0x1  }
0x45: {  	s15 =	simm.s32 $0x100  }
0x46: {  	s16 =	simm.s32 $0x180;
	s0 =	sand.u32 $0x3FFFFC00, s15;
	[tilespmem:s30+$0x40A0] =	vst v0  }
0x47: {  	s20 =	simm.s32 $0x30;
	s2 =	sand.u32 $0x380, s16;
	s0 =	sor.u32 s4, s0;
	[tilespmem:s31+$0x4090] =	vst v1;
	v0 =	vld [tilespmem:s23+$0xB0]  }
0x48: {  	s5 =	sand.u32 $0x3FFFFF80, s20;
	s22 =	sshll.u32 s2, $0x3;
	[tilespmem:s0+$0x4080] =	vst v2;
	v1 =	vld [tilespmem:s1+$0xA0]  }
0x49: {  	s12 =	sadd.s32 s5, s22;
	v2 =	vld [tilespmem:s14+$0x90]  }
0x4a: {  	v3 =	vld [tilespmem:s12+$0x80];
	_ =	sdelay $0x4  }
0x4b: {  	v0 =	vld.idx.msk [tilespmem:v0+s3+$0x0], $0xffff  }
0x4c: {  	v1 =	vld.idx.msk [tilespmem:v1+s3+$0x0], $0xffff  }
0x4d: {  	v2 =	vld.idx.msk [tilespmem:v2+s3+$0x0], $0xffff  }
0x4e: {  	v3 =	vld.idx.msk [tilespmem:v3+s3+$0x0], $0xffff;
	_ =	sdelay $0x1  }
0x4f: {  	s24 =	simm.s32 $0x180;
	[tilespmem:s30+$0x40B0] =	vst v0  }
0x50: {  	s25 =	simm.s32 $0x200;
	s4 =	sand.u32 $0x3FFFFC00, s24;
	[tilespmem:s31+$0x40A0] =	vst v1;
	v0 =	vld [tilespmem:s23+$0xC0]  }
0x51: {  	s6 =	simm.s32 $0x40;
	s5 =	sand.u32 $0x380, s25;
	s15 =	sor.u32 s2, s4;
	[tilespmem:s0+$0x4090] =	vst v2;
	v1 =	vld [tilespmem:s1+$0xB0]  }
0x52: {  	s7 =	sand.u32 $0x3FFFFF80, s6;
	s4 =	sshll.u32 s5, $0x3;
	[tilespmem:s15+$0x4080] =	vst v3;
	v2 =	vld [tilespmem:s14+$0xA0]  }
0x53: {  	s6 =	sadd.s32 s7, s4;
	v3 =	vld [tilespmem:s12+$0x90]  }
0x54: {  	v4 =	vld [tilespmem:s6+$0x80];
	_ =	sdelay $0x3  }
0x55: {  	v0 =	vld.idx.msk [tilespmem:v0+s3+$0x0], $0xffff  }
0x56: {  	s13 =	simm.s32 $0x280;
	v1 =	vld.idx.msk [tilespmem:v1+s3+$0x0], $0xffff  }
0x57: {  	s13 =	sand.u32 $0x380, s13;
	s7 =	simm.s32 $0x50;
	v2 =	vld.idx.msk [tilespmem:v2+s3+$0x0], $0xffff  }
0x58: {  	s16 =	sshll.u32 s13, $0x3;
	s20 =	sand.u32 $0x3FFFFF80, s7;
	v3 =	vld.idx.msk [tilespmem:v3+s3+$0x0], $0xffff  }
0x59: {  	s7 =	sadd.s32 s20, s16;
	v4 =	vld.idx.msk [tilespmem:v4+s3+$0x0], $0xffff  }
0x5a: {  	v5 =	vld [tilespmem:s7+$0x80];
	[tilespmem:s30+$0x40C0] =	vst v0  }
0x5b: {  	s8 =	simm.s32 $0x200;
	[tilespmem:s31+$0x40B0] =	vst v1;
	v0 =	vld [tilespmem:s23+$0xD0]  }
0x5c: {  	s2 =	sand.u32 $0x3FFFFC00, s8;
	[tilespmem:s0+$0x40A0] =	vst v2;
	v1 =	vld [tilespmem:s1+$0xC0]  }
0x5d: {  	s4 =	sor.u32 s5, s2;
	[tilespmem:s15+$0x4090] =	vst v3;
	v2 =	vld [tilespmem:s14+$0xB0]  }
0x5e: {  	[tilespmem:s4+$0x4080] =	vst v4;
	v3 =	vld [tilespmem:s12+$0xA0]  }
0x5f: {  	v4 =	vld [tilespmem:s6+$0x90];
	_ =	sdelay $0x2  }
0x60: {  	v5 =	vld.idx.msk [tilespmem:v5+s3+$0x0], $0xffff  }
0x61: {  	v0 =	vld.idx.msk [tilespmem:v0+s3+$0x0], $0xffff  }
0x62: {  	s22 =	simm.s32 $0x280;
	v1 =	vld.idx.msk [tilespmem:v1+s3+$0x0], $0xffff  }
0x63: {  	s2 =	sand.u32 $0x3FFFFC00, s22;
	v2 =	vld.idx.msk [tilespmem:v2+s3+$0x0], $0xffff  }
0x64: {  	s13 =	sor.u32 s13, s2;
	v3 =	vld.idx.msk [tilespmem:v3+s3+$0x0], $0xffff  }
0x65: {  	[tilespmem:s13+$0x4080] =	vst v5;
	v4 =	vld.idx.msk [tilespmem:v4+s3+$0x0], $0xffff  }
0x66: {  	v5 =	vld [tilespmem:s7+$0x90];
	[tilespmem:s30+$0x40D0] =	vst v0  }
0x67: {  	[tilespmem:s31+$0x40C0] =	vst v1;
	v0 =	vld [tilespmem:s23+$0xE0]  }
0x68: {  	s24 =	simm.s32 $0x300;
	[tilespmem:s0+$0x40B0] =	vst v2;
	v1 =	vld [tilespmem:s1+$0xD0]  }
0x69: {  	s5 =	sand.u32 $0x380, s24;
	s16 =	simm.s32 $0x60;
	[tilespmem:s15+$0x40A0] =	vst v3;
	v2 =	vld [tilespmem:s14+$0xC0]  }
0x6a: {  	s25 =	sshll.u32 s5, $0x3;
	s16 =	sand.u32 $0x3FFFFF80, s16;
	[tilespmem:s4+$0x4090] =	vst v4;
	v3 =	vld [tilespmem:s12+$0xB0]  }
0x6b: {  	s16 =	sadd.s32 s16, s25;
	v4 =	vld [tilespmem:s6+$0xA0]  }
0x6c: {  	v6 =	vld [tilespmem:s16+$0x80];
	_ =	sdelay $0x1  }
0x6d: {  	v5 =	vld.idx.msk [tilespmem:v5+s3+$0x0], $0xffff  }
0x6e: {  	v0 =	vld.idx.msk [tilespmem:v0+s3+$0x0], $0xffff  }
0x6f: {  	v1 =	vld.idx.msk [tilespmem:v1+s3+$0x0], $0xffff  }
0x70: {  	v2 =	vld.idx.msk [tilespmem:v2+s3+$0x0], $0xffff  }
0x71: {  	v3 =	vld.idx.msk [tilespmem:v3+s3+$0x0], $0xffff  }
0x72: {  	v7 =	vld.idx.msk [tilespmem:v4+s3+$0x0], $0xffff  }
0x73: {  	v4 =	vld.idx.msk [tilespmem:v6+s3+$0x0], $0xffff;
	[tilespmem:s30+$0x40E0] =	vst v0  }
0x74: {  	[tilespmem:s31+$0x40D0] =	vst v1;
	v0 =	vld [tilespmem:s23+$0xF0]  }
0x75: {  	s28 =	sshll.u32 s26, $0x1;
	[tilespmem:s0+$0x40C0] =	vst v2;
	v1 =	vld [tilespmem:s1+$0xE0]  }
0x76: {  	s29 =	sadd.s32 s10, s28;
	s22 =	simm.s32 $0x7;
	s20 =	simm.s32 $0x300;
	[tilespmem:s15+$0x40B0] =	vst v3;
	v2 =	vld [tilespmem:s14+$0xD0]  }
0x77: {  	s2 =	simm.s32 $0x70;
	s8 =	sand.u32 $0x3FFFFC00, s20;
	s20 =	simm.s32 $0x380;
	[tilespmem:s4+$0x40A0] =	vst v7;
	v3 =	vld [tilespmem:s12+$0xC0]  }
0x78: {  	s24 =	sand.u32 $0x380, s20;
	s25 =	simm.s32 $0x8;
	[tilespmem:s13+$0x4090] =	vst v5;
	v5 =	vld [tilespmem:s6+$0xB0];
	s23 =	sor.u32 s5, s8  }
.LBB2_3:
0x79: {  	p2 =	sne.s32 s25, $0x3F;
	s5 =	sshll.u32 s24, $0x3;
	s2 =	sand.u32 $0x3FFFFF80, s2;
	[tilespmem:s23+$0x4080] =	vst v4;
	v4 =	vld [tilespmem:s7+$0xA0]  }
0x7a: {  	s2 =	sadd.s32 s2, s5;
	v6 =	vld [tilespmem:s16+$0x90]  }
0x7b: {  	v7 =	vld [tilespmem:s2+$0x80]  }
0x7c: {  	v0 =	vld.idx.msk [tilespmem:v0+s3+$0x0], $0xffff  }
0x7d: {  	v1 =	vld.idx.msk [tilespmem:v1+s3+$0x0], $0xffff  }
0x7e: {  	v2 =	vld.idx.msk [tilespmem:v2+s3+$0x0], $0xffff  }
0x7f: {  	v3 =	vld.idx.msk [tilespmem:v3+s3+$0x0], $0xffff  }
0x80: {  	v5 =	vld.idx.msk [tilespmem:v5+s3+$0x0], $0xffff  }
0x81: {  	v8 =	vld.idx.msk [tilespmem:v4+s3+$0x0], $0xffff  }
0x82: {  	v6 =	vld.idx.msk [tilespmem:v6+s3+$0x0], $0xffff;
	[tilespmem:s30+$0x40F0] =	vst v0;
	s30 =	smov.u32 s31;
	s31 =	smov.u32 s0;
	s0 =	smov.u32 s15  }
0x83: {  	s15 =	smov.u32 s4;
	s4 =	smov.u32 s13;
	s13 =	smov.u32 s23;
	v4 =	vld.idx.msk [tilespmem:v7+s3+$0x0], $0xffff;
	[tilespmem:s30+$0x40E0] =	vst v1  }
.Ltmp2:
0x84: {  	[tilespmem:s31+$0x40D0] =	vst v2;
	v0 =	vld [tilespmem:s1+$0xF0];
	s1 =	smov.u32 s14;
	s14 =	smov.u32 s12;
	(pc) =	sbr.rel @p2 .LBB2_3-.Ltmp2, $4  }
0x85: {  	s12 =	smov.u32 s6;
	s6 =	smov.u32 s7;
	s7 =	smov.u32 s16;
	[tilespmem:s0+$0x40C0] =	vst v3;
	v1 =	vld [tilespmem:s1+$0xE0]  }
0x86: {  	s5 =	sshll.u32 s22, $0x7;
	s22 =	smov.u32 s25;
	s16 =	smov.u32 s2;
	[tilespmem:s15+$0x40B0] =	vst v5;
	v2 =	vld [tilespmem:s14+$0xD0]  }
0x87: {  	s20 =	sadd.s32 $0x80, s20;
	s5 =	sand.u32 $0x3FFFFC00, s5;
	s2 =	sshll.u32 s25, $0x4;
	[tilespmem:s4+$0x40A0] =	vst v8;
	v3 =	vld [tilespmem:s12+$0xC0]  }
0x88: {  	s23 =	sor.u32 s24, s5;
	s24 =	sand.u32 $0x380, s20;
	s25 =	sadd.s32 $0x1, s25;
	[tilespmem:s13+$0x4090] =	vst v6;
	v5 =	vld [tilespmem:s6+$0xB0]  }
0x89: {  	s5 =	sshll.u32 s24, $0x3;
	s2 =	sand.u32 $0x3FFFFF80, s2  }
0x8a: {  	s25 =	sadd.s32 s2, s5  }
0x8b: {  	v6 =	vld [tilespmem:s25+$0x80];
	_ =	sdelay $0x7  }
0x8c: {  	v6 =	vld.idx.msk [tilespmem:v6+s3+$0x0], $0xffff;
	_ =	sdelay $0x1  }
0x8d: {  	s5 =	sshll.u32 s22, $0x7  }
0x8e: {  	s2 =	sand.u32 $0x3FFFFC00, s5  }
0x8f: {  	[tilespmem:s23+$0x4080] =	vst v4;
	s8 =	sor.u32 s24, s2  }
0x90: {  	v4 =	vld [tilespmem:s16+$0x90];
	[tilespmem:s8+$0x4080] =	vst v6  }
0x91: {  	v6 =	vld [tilespmem:s25+$0x90];
	_ =	sdelay $0x6  }
0x92: {  	v4 =	vld.idx.msk [tilespmem:v4+s3+$0x0], $0xffff  }
0x93: {  	v6 =	vld.idx.msk [tilespmem:v6+s3+$0x0], $0xffff;
	_ =	sdelay $0x2  }
0x94: {  	v7 =	vld [tilespmem:s7+$0xA0]  }
0x95: {  	[tilespmem:s23+$0x4090] =	vst v4  }
0x96: {  	v4 =	vld [tilespmem:s16+$0xA0];
	[tilespmem:s8+$0x4090] =	vst v6  }
0x97: {  	v6 =	vld [tilespmem:s25+$0xA0];
	_ =	sdelay $0x4  }
0x98: {  	v7 =	vld.idx.msk [tilespmem:v7+s3+$0x0], $0xffff;
	_ =	sdelay $0x1  }
0x99: {  	v4 =	vld.idx.msk [tilespmem:v4+s3+$0x0], $0xffff  }
0x9a: {  	v6 =	vld.idx.msk [tilespmem:v6+s3+$0x0], $0xffff;
	_ =	sdelay $0x1  }
0x9b: {  	[tilespmem:s13+$0x40A0] =	vst v7  }
0x9c: {  	v7 =	vld [tilespmem:s7+$0xB0]  }
0x9d: {  	[tilespmem:s23+$0x40A0] =	vst v4  }
0x9e: {  	v4 =	vld [tilespmem:s16+$0xB0];
	[tilespmem:s8+$0x40A0] =	vst v6  }
0x9f: {  	v6 =	vld [tilespmem:s25+$0xB0];
	_ =	sdelay $0x3  }
0xa0: {  	v5 =	vld.idx.msk [tilespmem:v5+s3+$0x0], $0xffff  }
0xa1: {  	v7 =	vld.idx.msk [tilespmem:v7+s3+$0x0], $0xffff;
	_ =	sdelay $0x1  }
0xa2: {  	v4 =	vld.idx.msk [tilespmem:v4+s3+$0x0], $0xffff  }
0xa3: {  	v6 =	vld.idx.msk [tilespmem:v6+s3+$0x0], $0xffff  }
0xa4: {  	[tilespmem:s4+$0x40B0] =	vst v5  }
0xa5: {  	v5 =	vld [tilespmem:s6+$0xC0];
	[tilespmem:s13+$0x40B0] =	vst v7  }
0xa6: {  	v7 =	vld [tilespmem:s7+$0xC0]  }
0xa7: {  	[tilespmem:s23+$0x40B0] =	vst v4  }
0xa8: {  	v4 =	vld [tilespmem:s16+$0xC0];
	[tilespmem:s8+$0x40B0] =	vst v6  }
0xa9: {  	v6 =	vld [tilespmem:s25+$0xC0];
	_ =	sdelay $0x2  }
0xaa: {  	v3 =	vld.idx.msk [tilespmem:v3+s3+$0x0], $0xffff  }
0xab: {  	v5 =	vld.idx.msk [tilespmem:v5+s3+$0x0], $0xffff  }
0xac: {  	v7 =	vld.idx.msk [tilespmem:v7+s3+$0x0], $0xffff;
	_ =	sdelay $0x1  }
0xad: {  	v4 =	vld.idx.msk [tilespmem:v4+s3+$0x0], $0xffff  }
0xae: {  	[tilespmem:s15+$0x40C0] =	vst v3;
	v6 =	vld.idx.msk [tilespmem:v6+s3+$0x0], $0xffff  }
0xaf: {  	v3 =	vld [tilespmem:s12+$0xD0];
	[tilespmem:s4+$0x40C0] =	vst v5  }
0xb0: {  	v5 =	vld [tilespmem:s6+$0xD0];
	[tilespmem:s13+$0x40C0] =	vst v7  }
0xb1: {  	v7 =	vld [tilespmem:s7+$0xD0]  }
0xb2: {  	[tilespmem:s23+$0x40C0] =	vst v4  }
0xb3: {  	v4 =	vld [tilespmem:s16+$0xD0];
	[tilespmem:s8+$0x40C0] =	vst v6  }
0xb4: {  	v6 =	vld [tilespmem:s25+$0xD0];
	_ =	sdelay $0x1  }
0xb5: {  	v2 =	vld.idx.msk [tilespmem:v2+s3+$0x0], $0xffff  }
0xb6: {  	v3 =	vld.idx.msk [tilespmem:v3+s3+$0x0], $0xffff  }
0xb7: {  	v5 =	vld.idx.msk [tilespmem:v5+s3+$0x0], $0xffff  }
0xb8: {  	v7 =	vld.idx.msk [tilespmem:v7+s3+$0x0], $0xffff  }
0xb9: {  	v1 =	vld.idx.msk [tilespmem:v1+s3+$0x0], $0xffff  }
0xba: {  	[tilespmem:s0+$0x40D0] =	vst v2;
	v4 =	vld.idx.msk [tilespmem:v4+s3+$0x0], $0xffff  }
0xbb: {  	[tilespmem:s15+$0x40D0] =	vst v3;
	v2 =	vld.idx.msk [tilespmem:v6+s3+$0x0], $0xffff  }
0xbc: {  	v3 =	vld [tilespmem:s12+$0xE0];
	[tilespmem:s4+$0x40D0] =	vst v5  }
0xbd: {  	v5 =	vld [tilespmem:s6+$0xE0];
	[tilespmem:s13+$0x40D0] =	vst v7  }
0xbe: {  	v7 =	vld [tilespmem:s7+$0xE0]  }
0xbf: {  	[tilespmem:s23+$0x40D0] =	vst v4;
	v6 =	vld [tilespmem:s14+$0xE0]  }
0xc0: {  	v4 =	vld [tilespmem:s16+$0xE0];
	[tilespmem:s8+$0x40D0] =	vst v2  }
0xc1: {  	v2 =	vld [tilespmem:s25+$0xE0]  }
0xc2: {  	v0 =	vld.idx.msk [tilespmem:v0+s3+$0x0], $0xffff;
	[tilespmem:s31+$0x40E0] =	vst v1  }
0xc3: {  	v1 =	vld [tilespmem:s1+$0xF0]  }
0xc4: {  	v3 =	vld.idx.msk [tilespmem:v3+s3+$0x0], $0xffff  }
0xc5: {  	v5 =	vld.idx.msk [tilespmem:v5+s3+$0x0], $0xffff  }
0xc6: {  	v7 =	vld.idx.msk [tilespmem:v7+s3+$0x0], $0xffff  }
0xc7: {  	v6 =	vld.idx.msk [tilespmem:v6+s3+$0x0], $0xffff  }
0xc8: {  	v4 =	vld.idx.msk [tilespmem:v4+s3+$0x0], $0xffff  }
0xc9: {  	[tilespmem:s15+$0x40E0] =	vst v3;
	v2 =	vld.idx.msk [tilespmem:v2+s3+$0x0], $0xffff  }
0xca: {  	v3 =	vld [tilespmem:s12+$0xF0];
	[tilespmem:s4+$0x40E0] =	vst v5  }
0xcb: {  	v5 =	vld [tilespmem:s6+$0xF0];
	[tilespmem:s13+$0x40E0] =	vst v7  }
0xcc: {  	v7 =	vld [tilespmem:s7+$0xF0];
	[tilespmem:s0+$0x40E0] =	vst v6  }
0xcd: {  	[tilespmem:s23+$0x40E0] =	vst v4;
	v6 =	vld [tilespmem:s14+$0xF0]  }
0xce: {  	v4 =	vld [tilespmem:s16+$0xF0];
	[tilespmem:s8+$0x40E0] =	vst v2  }
0xcf: {  	v2 =	vld [tilespmem:s25+$0xF0];
	_ =	sdelay $0x1  }
0xd0: {  	v1 =	vld.idx.msk [tilespmem:v1+s3+$0x0], $0xffff  }
0xd1: {  	v3 =	vld.idx.msk [tilespmem:v3+s3+$0x0], $0xffff  }
0xd2: {  	v5 =	vld.idx.msk [tilespmem:v5+s3+$0x0], $0xffff  }
0xd3: {  	[tilespmem:s30+$0x40F0] =	vst v0;
	v0 =	vld.idx.msk [tilespmem:v7+s3+$0x0], $0xffff  }
0xd4: {  	v6 =	vld.idx.msk [tilespmem:v6+s3+$0x0], $0xffff  }
0xd5: {  	[tilespmem:s31+$0x40F0] =	vst v1;
	v1 =	vld.idx.msk [tilespmem:v4+s3+$0x0], $0xffff  }
0xd6: {  	[tilespmem:s15+$0x40F0] =	vst v3;
	v2 =	vld.idx.msk [tilespmem:v2+s3+$0x0], $0xffff  }
0xd7: {  	[tilespmem:s4+$0x40F0] =	vst v5  }
0xd8: {  	s15 =	sshll.u32 s29, $0x7;
	[tilespmem:s13+$0x40F0] =	vst v0  }
0xd9: {  	s30 =	sshll.u32 s29, $0xA;
	[tilespmem:s0+$0x40F0] =	vst v6;
	s0 =	sand.u32 $0x780, s15  }
0xda: {  	s16 =	sand.u32 $0xFFFC000, s30;
	[tilespmem:s23+$0x40F0] =	vst v1;
	s0 =	sadd.s32 s9, s0  }
0xdb: {  	s20 =	simm.s32 $0x4080;
	s0 =	sadd.s32 s16, s0;
	[tilespmem:s8+$0x40F0] =	vst v2  }
0xdc: {  	[hbm4b:s0+s18] =	stream.strided.scatter [tilespmem:s20], [sflag:$0x3], $0x2000, s19, s18, $0x38;
	[tilespmem:$0x8080] =	vst v63  }
0xdd: {  	s22 =	rddreg [dreg:$0x7]  }
0xde: {  	s0 =	rddreg [dreg:$0x9];
	p2 =	sge.s32 s28, s22  }
0xdf: {  	s0 =	sadd.s32 @!p2 s30, s0;
	s1 =	simm.s32 @!p2 $0x0;
	s2 =	simm.s32 @!p2 $0x80  }
0xe0: {  	[tilespmem:s2], [sflag:$0x1] =	stream.linear.gather @!p2 [hbm4b:s0+s1], $0x2000, $0x38;
	[tilespmem:$0x8080] =	vst v63  }
0xe1: {  	_ =	swait.ge [sflag:s21], $0x2000  }
0xe2: {  	[sflag:s21] =	ssyncset.done $0x0  }
0xe3: {  	s23 =	simm.s32 $0x0;
	s0 =	simm.s32 @!p1 $0x4;
	[sflag:s21] =	ssyncadd.s32 $0xFFFFE000  }
0xe4: {  	s24 =	simm.s32 $0x0;
	s1 =	sand.u32 $0x380, s23;
	_ =	swait.ge @!p1 [sflag:s0], $0x2000  }
0xe5: {  	s2 =	sand.u32 $0x3FFFFF80, s24;
	s25 =	sshll.u32 s1, $0x3;
	[sflag:s0] =	ssyncset.done @!p1 $0x0  }
0xe6: {  	s23 =	sadd.s32 s2, s25;
	[sflag:s0] =	ssyncadd.s32 @!p1 $0xFFFFE000  }
0xe7: {  	v0 =	vld [tilespmem:s23+$0x2080];
	_ =	sdelay $0x7  }
0xe8: {  	v0 =	vld.idx.msk [tilespmem:v0+s3+$0x0], $0xffff;
	_ =	sdelay $0x1  }
0xe9: {  	s4 =	simm.s32 $0x0  }
0xea: {  	s5 =	simm.s32 $0x80;
	s0 =	sand.u32 $0x3FFFFC00, s4  }
0xeb: {  	s6 =	simm.s32 $0x10;
	s2 =	sand.u32 $0x380, s5;
	s31 =	sor.u32 s1, s0  }
0xec: {  	s8 =	sand.u32 $0x3FFFFF80, s6;
	s7 =	sshll.u32 s2, $0x3;
	[tilespmem:s31+$0x6080] =	vst v0  }
0xed: {  	s14 =	sadd.s32 s8, s7;
	v0 =	vld [tilespmem:s23+$0x2090]  }
0xee: {  	v1 =	vld [tilespmem:s14+$0x2080];
	_ =	sdelay $0x6  }
0xef: {  	v0 =	vld.idx.msk [tilespmem:v0+s3+$0x0], $0xffff  }
0xf0: {  	v1 =	vld.idx.msk [tilespmem:v1+s3+$0x0], $0xffff;
	_ =	sdelay $0x1  }
0xf1: {  	s12 =	simm.s32 $0x80  }
0xf2: {  	s13 =	simm.s32 $0x100;
	s0 =	sand.u32 $0x3FFFFC00, s12  }
0xf3: {  	s15 =	simm.s32 $0x20;
	s1 =	sand.u32 $0x380, s13;
	s0 =	sor.u32 s2, s0;
	[tilespmem:s31+$0x6090] =	vst v0  }
0xf4: {  	s4 =	sand.u32 $0x3FFFFF80, s15;
	s16 =	sshll.u32 s1, $0x3;
	[tilespmem:s0+$0x6080] =	vst v1;
	v0 =	vld [tilespmem:s23+$0x20A0]  }
0xf5: {  	s15 =	sadd.s32 s4, s16;
	v1 =	vld [tilespmem:s14+$0x2090]  }
0xf6: {  	v2 =	vld [tilespmem:s15+$0x2080];
	_ =	sdelay $0x5  }
0xf7: {  	v0 =	vld.idx.msk [tilespmem:v0+s3+$0x0], $0xffff  }
0xf8: {  	v1 =	vld.idx.msk [tilespmem:v1+s3+$0x0], $0xffff  }
0xf9: {  	v2 =	vld.idx.msk [tilespmem:v2+s3+$0x0], $0xffff;
	_ =	sdelay $0x1  }
0xfa: {  	s20 =	simm.s32 $0x100  }
0xfb: {  	s22 =	simm.s32 $0x180;
	s2 =	sand.u32 $0x3FFFFC00, s20;
	[tilespmem:s31+$0x60A0] =	vst v0  }
0xfc: {  	s24 =	simm.s32 $0x30;
	s25 =	sand.u32 $0x380, s22;
	s1 =	sor.u32 s1, s2;
	[tilespmem:s0+$0x6090] =	vst v1;
	v0 =	vld [tilespmem:s23+$0x20B0]  }
0xfd: {  	s7 =	sand.u32 $0x3FFFFF80, s24;
	s4 =	sshll.u32 s25, $0x3;
	[tilespmem:s1+$0x6080] =	vst v2;
	v1 =	vld [tilespmem:s14+$0x20A0]  }
0xfe: {  	s4 =	sadd.s32 s7, s4;
	v2 =	vld [tilespmem:s15+$0x2090]  }
0xff: {  	v3 =	vld [tilespmem:s4+$0x2080];
	_ =	sdelay $0x4  }
0x100: {  	v0 =	vld.idx.msk [tilespmem:v0+s3+$0x0], $0xffff  }
0x101: {  	v1 =	vld.idx.msk [tilespmem:v1+s3+$0x0], $0xffff  }
0x102: {  	v2 =	vld.idx.msk [tilespmem:v2+s3+$0x0], $0xffff  }
0x103: {  	v3 =	vld.idx.msk [tilespmem:v3+s3+$0x0], $0xffff;
	_ =	sdelay $0x1  }
0x104: {  	s8 =	simm.s32 $0x180;
	[tilespmem:s31+$0x60B0] =	vst v0  }
0x105: {  	s12 =	simm.s32 $0x200;
	s2 =	sand.u32 $0x3FFFFC00, s8;
	[tilespmem:s0+$0x60A0] =	vst v1;
	v0 =	vld [tilespmem:s23+$0x20C0]  }
0x106: {  	s13 =	simm.s32 $0x40;
	s5 =	sand.u32 $0x380, s12;
	s12 =	sor.u32 s25, s2;
	[tilespmem:s1+$0x6090] =	vst v2;
	v1 =	vld [tilespmem:s14+$0x20B0]  }
0x107: {  	s20 =	sand.u32 $0x3FFFFF80, s13;
	s16 =	sshll.u32 s5, $0x3;
	[tilespmem:s12+$0x6080] =	vst v3;
	v2 =	vld [tilespmem:s15+$0x20A0]  }
0x108: {  	s7 =	sadd.s32 s20, s16;
	v3 =	vld [tilespmem:s4+$0x2090]  }
0x109: {  	v4 =	vld [tilespmem:s7+$0x2080];
	_ =	sdelay $0x3  }
0x10a: {  	v0 =	vld.idx.msk [tilespmem:v0+s3+$0x0], $0xffff  }
0x10b: {  	s24 =	simm.s32 $0x280;
	v1 =	vld.idx.msk [tilespmem:v1+s3+$0x0], $0xffff  }
0x10c: {  	s25 =	simm.s32 $0x50;
	s20 =	sand.u32 $0x380, s24;
	v2 =	vld.idx.msk [tilespmem:v2+s3+$0x0], $0xffff  }
0x10d: {  	s8 =	sshll.u32 s20, $0x3;
	s16 =	sand.u32 $0x3FFFFF80, s25;
	v3 =	vld.idx.msk [tilespmem:v3+s3+$0x0], $0xffff  }
0x10e: {  	s16 =	sadd.s32 s16, s8;
	v4 =	vld.idx.msk [tilespmem:v4+s3+$0x0], $0xffff  }
0x10f: {  	v5 =	vld [tilespmem:s16+$0x2080];
	[tilespmem:s31+$0x60C0] =	vst v0  }
0x110: {  	s22 =	simm.s32 $0x200;
	[tilespmem:s0+$0x60B0] =	vst v1;
	v0 =	vld [tilespmem:s23+$0x20D0]  }
0x111: {  	s2 =	sand.u32 $0x3FFFFC00, s22;
	[tilespmem:s1+$0x60A0] =	vst v2;
	v1 =	vld [tilespmem:s14+$0x20C0]  }
0x112: {  	s6 =	sor.u32 s5, s2;
	[tilespmem:s12+$0x6090] =	vst v3;
	v2 =	vld [tilespmem:s15+$0x20B0]  }
0x113: {  	[tilespmem:s6+$0x6080] =	vst v4;
	v3 =	vld [tilespmem:s4+$0x20A0]  }
0x114: {  	v4 =	vld [tilespmem:s7+$0x2090];
	_ =	sdelay $0x2  }
0x115: {  	v5 =	vld.idx.msk [tilespmem:v5+s3+$0x0], $0xffff  }
0x116: {  	v0 =	vld.idx.msk [tilespmem:v0+s3+$0x0], $0xffff  }
0x117: {  	s22 =	simm.s32 $0x280;
	v1 =	vld.idx.msk [tilespmem:v1+s3+$0x0], $0xffff  }
0x118: {  	s2 =	sand.u32 $0x3FFFFC00, s22;
	v2 =	vld.idx.msk [tilespmem:v2+s3+$0x0], $0xffff  }
0x119: {  	s13 =	sor.u32 s20, s2;
	v3 =	vld.idx.msk [tilespmem:v3+s3+$0x0], $0xffff  }
0x11a: {  	[tilespmem:s13+$0x6080] =	vst v5;
	v4 =	vld.idx.msk [tilespmem:v4+s3+$0x0], $0xffff  }
0x11b: {  	v5 =	vld [tilespmem:s16+$0x2090];
	[tilespmem:s31+$0x60D0] =	vst v0  }
0x11c: {  	[tilespmem:s0+$0x60C0] =	vst v1;
	v0 =	vld [tilespmem:s23+$0x20E0]  }
0x11d: {  	s24 =	simm.s32 $0x300;
	[tilespmem:s1+$0x60B0] =	vst v2;
	v1 =	vld [tilespmem:s14+$0x20D0]  }
0x11e: {  	s25 =	simm.s32 $0x60;
	s8 =	sand.u32 $0x380, s24;
	[tilespmem:s12+$0x60A0] =	vst v3;
	v2 =	vld [tilespmem:s15+$0x20C0]  }
0x11f: {  	s22 =	sand.u32 $0x3FFFFF80, s25;
	s20 =	sshll.u32 s8, $0x3;
	[tilespmem:s6+$0x6090] =	vst v4;
	v3 =	vld [tilespmem:s4+$0x20B0]  }
0x120: {  	s24 =	sadd.s32 s22, s20;
	v4 =	vld [tilespmem:s7+$0x20A0]  }
0x121: {  	v6 =	vld [tilespmem:s24+$0x2080];
	_ =	sdelay $0x1  }
0x122: {  	v5 =	vld.idx.msk [tilespmem:v5+s3+$0x0], $0xffff  }
0x123: {  	v0 =	vld.idx.msk [tilespmem:v0+s3+$0x0], $0xffff  }
0x124: {  	v1 =	vld.idx.msk [tilespmem:v1+s3+$0x0], $0xffff  }
0x125: {  	v2 =	vld.idx.msk [tilespmem:v2+s3+$0x0], $0xffff  }
0x126: {  	v3 =	vld.idx.msk [tilespmem:v3+s3+$0x0], $0xffff  }
0x127: {  	v7 =	vld.idx.msk [tilespmem:v4+s3+$0x0], $0xffff  }
0x128: {  	v4 =	vld.idx.msk [tilespmem:v6+s3+$0x0], $0xffff;
	[tilespmem:s31+$0x60E0] =	vst v0  }
0x129: {  	[tilespmem:s0+$0x60D0] =	vst v1;
	v0 =	vld [tilespmem:s23+$0x20F0]  }
0x12a: {  	[tilespmem:s1+$0x60C0] =	vst v2;
	v1 =	vld [tilespmem:s14+$0x20E0]  }
0x12b: {  	s5 =	simm.s32 $0x70;
	[tilespmem:s12+$0x60B0] =	vst v3;
	v2 =	vld [tilespmem:s15+$0x20D0];
	s23 =	simm.s32 $0x300  }
0x12c: {  	s25 =	simm.s32 $0x7;
	s22 =	simm.s32 $0x380;
	[tilespmem:s6+$0x60A0] =	vst v7;
	v3 =	vld [tilespmem:s4+$0x20C0];
	s2 =	sand.u32 $0x3FFFFC00, s23  }
0x12d: {  	s20 =	sand.u32 $0x380, s22;
	[tilespmem:s13+$0x6090] =	vst v5;
	v5 =	vld [tilespmem:s7+$0x20B0];
	s23 =	sor.u32 s8, s2;
	s2 =	simm.s32 $0x8  }
.LBB2_5:
0x12e: {  	p1 =	sne.s32 s2, $0x3F;
	s8 =	sshll.u32 s20, $0x3;
	s5 =	sand.u32 $0x3FFFFF80, s5;
	[tilespmem:s23+$0x6080] =	vst v4;
	v4 =	vld [tilespmem:s16+$0x20A0]  }
0x12f: {  	s5 =	sadd.s32 s5, s8;
	v6 =	vld [tilespmem:s24+$0x2090]  }
0x130: {  	v7 =	vld [tilespmem:s5+$0x2080]  }
0x131: {  	v0 =	vld.idx.msk [tilespmem:v0+s3+$0x0], $0xffff  }
0x132: {  	v1 =	vld.idx.msk [tilespmem:v1+s3+$0x0], $0xffff  }
0x133: {  	v2 =	vld.idx.msk [tilespmem:v2+s3+$0x0], $0xffff  }
0x134: {  	v3 =	vld.idx.msk [tilespmem:v3+s3+$0x0], $0xffff  }
0x135: {  	v5 =	vld.idx.msk [tilespmem:v5+s3+$0x0], $0xffff  }
0x136: {  	v8 =	vld.idx.msk [tilespmem:v4+s3+$0x0], $0xffff  }
0x137: {  	v6 =	vld.idx.msk [tilespmem:v6+s3+$0x0], $0xffff;
	[tilespmem:s31+$0x60F0] =	vst v0;
	s31 =	smov.u32 s0;
	s0 =	smov.u32 s1;
	s1 =	smov.u32 s12  }
0x138: {  	s12 =	smov.u32 s6;
	s6 =	smov.u32 s13;
	s13 =	smov.u32 s23;
	v4 =	vld.idx.msk [tilespmem:v7+s3+$0x0], $0xffff;
	[tilespmem:s31+$0x60E0] =	vst v1  }
.Ltmp3:
0x139: {  	[tilespmem:s0+$0x60D0] =	vst v2;
	v0 =	vld [tilespmem:s14+$0x20F0];
	s14 =	smov.u32 s15;
	s15 =	smov.u32 s4;
	(pc) =	sbr.rel @p1 .LBB2_5-.Ltmp3, $4  }
0x13a: {  	s4 =	smov.u32 s7;
	s7 =	smov.u32 s16;
	s16 =	smov.u32 s24;
	[tilespmem:s1+$0x60C0] =	vst v3;
	v1 =	vld [tilespmem:s14+$0x20E0]  }
0x13b: {  	s8 =	sshll.u32 s25, $0x7;
	s25 =	smov.u32 s2;
	s24 =	smov.u32 s5;
	[tilespmem:s12+$0x60B0] =	vst v5;
	v2 =	vld [tilespmem:s15+$0x20D0]  }
0x13c: {  	s22 =	sadd.s32 $0x80, s22;
	s8 =	sand.u32 $0x3FFFFC00, s8;
	s5 =	sshll.u32 s2, $0x4;
	[tilespmem:s6+$0x60A0] =	vst v8;
	v3 =	vld [tilespmem:s4+$0x20C0]  }
0x13d: {  	s23 =	sor.u32 s20, s8;
	s20 =	sand.u32 $0x380, s22;
	s2 =	sadd.s32 $0x1, s2;
	[tilespmem:s13+$0x6090] =	vst v6;
	v5 =	vld [tilespmem:s7+$0x20B0]  }
0x13e: {  	s2 =	sshll.u32 s20, $0x3;
	s5 =	sand.u32 $0x3FFFFF80, s5  }
0x13f: {  	s22 =	sadd.s32 s5, s2  }
0x140: {  	v6 =	vld [tilespmem:s22+$0x2080];
	_ =	sdelay $0x7  }
0x141: {  	v6 =	vld.idx.msk [tilespmem:v6+s3+$0x0], $0xffff;
	_ =	sdelay $0x1  }
0x142: {  	s8 =	sshll.u32 s25, $0x7  }
0x143: {  	s2 =	sand.u32 $0x3FFFFC00, s8  }
0x144: {  	[tilespmem:s23+$0x6080] =	vst v4;
	s20 =	sor.u32 s20, s2  }
0x145: {  	v4 =	vld [tilespmem:s24+$0x2090];
	[tilespmem:s20+$0x6080] =	vst v6  }
0x146: {  	v6 =	vld [tilespmem:s22+$0x2090];
	_ =	sdelay $0x6  }
0x147: {  	v4 =	vld.idx.msk [tilespmem:v4+s3+$0x0], $0xffff  }
0x148: {  	v6 =	vld.idx.msk [tilespmem:v6+s3+$0x0], $0xffff;
	_ =	sdelay $0x3  }
0x149: {  	v7 =	vld [tilespmem:s16+$0x20A0];
	[tilespmem:s23+$0x6090] =	vst v4  }
0x14a: {  	v4 =	vld [tilespmem:s24+$0x20A0];
	[tilespmem:s20+$0x6090] =	vst v6  }
0x14b: {  	v6 =	vld [tilespmem:s22+$0x20A0];
	_ =	sdelay $0x5  }
0x14c: {  	v7 =	vld.idx.msk [tilespmem:v7+s3+$0x0], $0xffff  }
0x14d: {  	v4 =	vld.idx.msk [tilespmem:v4+s3+$0x0], $0xffff  }
0x14e: {  	v6 =	vld.idx.msk [tilespmem:v6+s3+$0x0], $0xffff;
	_ =	sdelay $0x2  }
0x14f: {  	[tilespmem:s13+$0x60A0] =	vst v7  }
0x150: {  	v7 =	vld [tilespmem:s16+$0x20B0];
	[tilespmem:s23+$0x60A0] =	vst v4  }
0x151: {  	v4 =	vld [tilespmem:s24+$0x20B0];
	[tilespmem:s20+$0x60A0] =	vst v6  }
0x152: {  	v6 =	vld [tilespmem:s22+$0x20B0];
	_ =	sdelay $0x3  }
0x153: {  	v5 =	vld.idx.msk [tilespmem:v5+s3+$0x0], $0xffff;
	_ =	sdelay $0x1  }
0x154: {  	v7 =	vld.idx.msk [tilespmem:v7+s3+$0x0], $0xffff  }
0x155: {  	v4 =	vld.idx.msk [tilespmem:v4+s3+$0x0], $0xffff  }
0x156: {  	v6 =	vld.idx.msk [tilespmem:v6+s3+$0x0], $0xffff  }
0x157: {  	[tilespmem:s6+$0x60B0] =	vst v5  }
0x158: {  	v5 =	vld [tilespmem:s7+$0x20C0]  }
0x159: {  	[tilespmem:s13+$0x60B0] =	vst v7  }
0x15a: {  	v7 =	vld [tilespmem:s16+$0x20C0];
	[tilespmem:s23+$0x60B0] =	vst v4  }
0x15b: {  	v4 =	vld [tilespmem:s24+$0x20C0];
	[tilespmem:s20+$0x60B0] =	vst v6  }
0x15c: {  	v6 =	vld [tilespmem:s22+$0x20C0];
	_ =	sdelay $0x2  }
0x15d: {  	v3 =	vld.idx.msk [tilespmem:v3+s3+$0x0], $0xffff  }
0x15e: {  	v5 =	vld.idx.msk [tilespmem:v5+s3+$0x0], $0xffff;
	_ =	sdelay $0x1  }
0x15f: {  	v7 =	vld.idx.msk [tilespmem:v7+s3+$0x0], $0xffff  }
0x160: {  	v4 =	vld.idx.msk [tilespmem:v4+s3+$0x0], $0xffff  }
0x161: {  	[tilespmem:s12+$0x60C0] =	vst v3;
	v6 =	vld.idx.msk [tilespmem:v6+s3+$0x0], $0xffff  }
0x162: {  	v3 =	vld [tilespmem:s4+$0x20D0];
	[tilespmem:s6+$0x60C0] =	vst v5  }
0x163: {  	v5 =	vld [tilespmem:s7+$0x20D0]  }
0x164: {  	[tilespmem:s13+$0x60C0] =	vst v7  }
0x165: {  	v7 =	vld [tilespmem:s16+$0x20D0];
	[tilespmem:s23+$0x60C0] =	vst v4  }
0x166: {  	v4 =	vld [tilespmem:s24+$0x20D0];
	[tilespmem:s20+$0x60C0] =	vst v6  }
0x167: {  	v6 =	vld [tilespmem:s22+$0x20D0];
	_ =	sdelay $0x1  }
0x168: {  	v1 =	vld.idx.msk [tilespmem:v1+s3+$0x0], $0xffff  }
0x169: {  	v3 =	vld.idx.msk [tilespmem:v3+s3+$0x0], $0xffff  }
0x16a: {  	v5 =	vld.idx.msk [tilespmem:v5+s3+$0x0], $0xffff  }
0x16b: {  	v2 =	vld.idx.msk [tilespmem:v2+s3+$0x0], $0xffff  }
0x16c: {  	v7 =	vld.idx.msk [tilespmem:v7+s3+$0x0], $0xffff  }
0x16d: {  	v4 =	vld.idx.msk [tilespmem:v4+s3+$0x0], $0xffff  }
0x16e: {  	[tilespmem:s12+$0x60D0] =	vst v3;
	v60 =	vld.idx.msk [tilespmem:v6+s3+$0x0], $0xffff  }
0x16f: {  	v3 =	vld [tilespmem:s4+$0x20E0];
	[tilespmem:s6+$0x60D0] =	vst v5  }
0x170: {  	[tilespmem:s1+$0x60D0] =	vst v2;
	v5 =	vld [tilespmem:s7+$0x20E0]  }
0x171: {  	v61 =	vld [tilespmem:s15+$0x20E0];
	[tilespmem:s13+$0x60D0] =	vst v7  }
0x172: {  	v7 =	vld [tilespmem:s16+$0x20E0];
	[tilespmem:s23+$0x60D0] =	vst v4  }
0x173: {  	v4 =	vld [tilespmem:s24+$0x20E0];
	[tilespmem:s20+$0x60D0] =	vst v60  }
0x174: {  	v2 =	vld [tilespmem:s22+$0x20E0]  }
0x175: {  	[tilespmem:s0+$0x60E0] =	vst v1  }
0x176: {  	v1 =	vld [tilespmem:s14+$0x20F0]  }
0x177: {  	v3 =	vld.idx.msk [tilespmem:v3+s3+$0x0], $0xffff  }
0x178: {  	v5 =	vld.idx.msk [tilespmem:v5+s3+$0x0], $0xffff  }
0x179: {  	v6 =	vld.idx.msk [tilespmem:v61+s3+$0x0], $0xffff  }
0x17a: {  	v7 =	vld.idx.msk [tilespmem:v7+s3+$0x0], $0xffff  }
0x17b: {  	v4 =	vld.idx.msk [tilespmem:v4+s3+$0x0], $0xffff  }
0x17c: {  	[tilespmem:s12+$0x60E0] =	vst v3;
	v2 =	vld.idx.msk [tilespmem:v2+s3+$0x0], $0xffff  }
0x17d: {  	v3 =	vld [tilespmem:s4+$0x20F0];
	[tilespmem:s6+$0x60E0] =	vst v5  }
0x17e: {  	v5 =	vld [tilespmem:s7+$0x20F0];
	[tilespmem:s1+$0x60E0] =	vst v6  }
0x17f: {  	[tilespmem:s13+$0x60E0] =	vst v7;
	v6 =	vld [tilespmem:s15+$0x20F0]  }
0x180: {  	v7 =	vld [tilespmem:s16+$0x20F0];
	[tilespmem:s23+$0x60E0] =	vst v4  }
0x181: {  	v4 =	vld [tilespmem:s24+$0x20F0];
	[tilespmem:s20+$0x60E0] =	vst v2  }
0x182: {  	v2 =	vld [tilespmem:s22+$0x20F0]  }
0x183: {  	v0 =	vld.idx.msk [tilespmem:v0+s3+$0x0], $0xffff  }
0x184: {  	v1 =	vld.idx.msk [tilespmem:v1+s3+$0x0], $0xffff  }
0x185: {  	v3 =	vld.idx.msk [tilespmem:v3+s3+$0x0], $0xffff  }
0x186: {  	v5 =	vld.idx.msk [tilespmem:v5+s3+$0x0], $0xffff  }
0x187: {  	v6 =	vld.idx.msk [tilespmem:v6+s3+$0x0], $0xffff  }
0x188: {  	[tilespmem:s31+$0x60F0] =	vst v0;
	v62 =	vld.idx.msk [tilespmem:v7+s3+$0x0], $0xffff  }
0x189: {  	[tilespmem:s0+$0x60F0] =	vst v1;
	v63 =	vld.idx.msk [tilespmem:v4+s3+$0x0], $0xffff  }
0x18a: {  	[tilespmem:s12+$0x60F0] =	vst v3;
	s22 =	sadd.s32 $0x1, s29;
	v2 =	vld.idx.msk [tilespmem:v2+s3+$0x0], $0xffff  }
0x18b: {  	[tilespmem:s6+$0x60F0] =	vst v5;
	s24 =	sshll.u32 s22, $0xD;
	s0 =	sshll.u32 s22, $0xA  }
0x18c: {  	[tilespmem:s1+$0x60F0] =	vst v6;
	s1 =	sand.u32 $0x7FFE0000, s24;
	s0 =	sand.u32 $0x3C00, s0  }
0x18d: {  	[tilespmem:s13+$0x60F0] =	vst v62;
	s0 =	sor.u32 s0, s1  }
0x18e: {  	[tilespmem:s23+$0x60F0] =	vst v63;
	s0 =	sshrl.u32 s0, $0x3  }
0x18f: {  	s29 =	simm.s32 $0x6080;
	s0 =	sadd.s32 s9, s0;
	[tilespmem:s20+$0x60F0] =	vst v2  }
0x190: {  	[hbm4b:s0+s18] =	stream.strided.scatter [tilespmem:s29], [sflag:$0x4], $0x2000, s19, s18, $0x38;
	[tilespmem:$0x8080] =	vst v63  }
0x191: {  	s31 =	rddreg [dreg:$0x8]  }
0x192: {  	s26 =	sadd.s32 $0x1, s26;
	p1 =	sge.s32 s28, s31  }
0x193: {  	s0 =	sadd.s32 @!p1 s30, s11;
	s1 =	simm.s32 @!p1 $0x0;
	s2 =	simm.s32 @!p1 $0x2080  }
0x194: {  	[tilespmem:s2], [sflag:$0x2] =	stream.linear.gather @!p1 [hbm4b:s0+s1], $0x2000, $0x38;
	[tilespmem:$0x8080] =	vst v63  }
0x195: {  	p1 =	sne.s32 s26, $0x6  }
.Ltmp4:
0x196: {  	_ = 	snop;
	(pc) =	sbr.rel @p1 .LBB2_2-.Ltmp4, $1  }
0x197: {  	_ =	sdelay $0x3  }
.Ltmp5:
0x198: {  	(pc) =	sbr.rel @p0 .LBB2_11-.Ltmp5, $2  }
0x199: {  	_ =	sdelay $0x2  }
0x19a: {  	s2 =	rddreg [dreg:$0xc]  }
0x19b: {  	_ =	swait.ge [sflag:s17], $0x2000  }
0x19c: {  	[sflag:s17] =	ssyncset.done $0x0  }
0x19d: {  	s0 =	simm.s32 $0x0;
	s4 =	simm.s32 $0x3;
	[sflag:s17] =	ssyncadd.s32 $0xFFFFE000  }
0x19e: {  	s1 =	simm.s32 $0x0;
	s0 =	sand.u32 $0x380, s0;
	_ =	swait.ge [sflag:s4], $0x2000  }
0x19f: {  	s1 =	sand.u32 $0x3FFFFF80, s1;
	s2 =	sshll.u32 s0, $0x3;
	[sflag:s4] =	ssyncset.done $0x0  }
0x1a0: {  	s23 =	sadd.s32 s1, s2;
	[sflag:s4] =	ssyncadd.s32 $0xFFFFE000  }
0x1a1: {  	v0 =	vld [tilespmem:s23+$0x80];
	_ =	sdelay $0x7  }
0x1a2: {  	v0 =	vld.idx.msk [tilespmem:v0+s3+$0x0], $0xffff;
	_ =	sdelay $0x1  }
0x1a3: {  	s5 =	simm.s32 $0x0  }
0x1a4: {  	s6 =	simm.s32 $0x80;
	s1 =	sand.u32 $0x3FFFFC00, s5  }
0x1a5: {  	s7 =	simm.s32 $0x10;
	s2 =	sand.u32 $0x380, s6;
	s26 =	sor.u32 s0, s1  }
0x1a6: {  	s12 =	sand.u32 $0x3FFFFF80, s7;
	s8 =	sshll.u32 s2, $0x3;
	[tilespmem:s26+$0x4080] =	vst v0  }
0x1a7: {  	s14 =	sadd.s32 s12, s8;
	v0 =	vld [tilespmem:s23+$0x90]  }
0x1a8: {  	v1 =	vld [tilespmem:s14+$0x80];
	_ =	sdelay $0x6  }
0x1a9: {  	v0 =	vld.idx.msk [tilespmem:v0+s3+$0x0], $0xffff  }
0x1aa: {  	v1 =	vld.idx.msk [tilespmem:v1+s3+$0x0], $0xffff;
	_ =	sdelay $0x1  }
0x1ab: {  	s13 =	simm.s32 $0x80  }
0x1ac: {  	s15 =	simm.s32 $0x100;
	s0 =	sand.u32 $0x3FFFFC00, s13  }
0x1ad: {  	s16 =	simm.s32 $0x20;
	s1 =	sand.u32 $0x380, s15;
	s0 =	sor.u32 s2, s0;
	[tilespmem:s26+$0x4090] =	vst v0  }
0x1ae: {  	s20 =	sshll.u32 s1, $0x3;
	s4 =	sand.u32 $0x3FFFFF80, s16;
	[tilespmem:s0+$0x4080] =	vst v1;
	v0 =	vld [tilespmem:s23+$0xA0]  }
0x1af: {  	s15 =	sadd.s32 s4, s20;
	v1 =	vld [tilespmem:s14+$0x90]  }
0x1b0: {  	v2 =	vld [tilespmem:s15+$0x80];
	_ =	sdelay $0x5  }
0x1b1: {  	v0 =	vld.idx.msk [tilespmem:v0+s3+$0x0], $0xffff  }
0x1b2: {  	v1 =	vld.idx.msk [tilespmem:v1+s3+$0x0], $0xffff  }
0x1b3: {  	v2 =	vld.idx.msk [tilespmem:v2+s3+$0x0], $0xffff;
	_ =	sdelay $0x1  }
0x1b4: {  	s22 =	simm.s32 $0x100  }
0x1b5: {  	s24 =	simm.s32 $0x180;
	s2 =	sand.u32 $0x3FFFFC00, s22;
	[tilespmem:s26+$0x40A0] =	vst v0  }
0x1b6: {  	s5 =	simm.s32 $0x30;
	s6 =	sand.u32 $0x380, s24;
	s1 =	sor.u32 s1, s2;
	[tilespmem:s0+$0x4090] =	vst v1;
	v0 =	vld [tilespmem:s23+$0xB0]  }
0x1b7: {  	s25 =	sshll.u32 s6, $0x3;
	s29 =	sand.u32 $0x3FFFFF80, s5;
	[tilespmem:s1+$0x4080] =	vst v2;
	v1 =	vld [tilespmem:s14+$0xA0]  }
0x1b8: {  	s4 =	sadd.s32 s29, s25;
	v2 =	vld [tilespmem:s15+$0x90]  }
0x1b9: {  	v3 =	vld [tilespmem:s4+$0x80];
	_ =	sdelay $0x4  }
0x1ba: {  	v0 =	vld.idx.msk [tilespmem:v0+s3+$0x0], $0xffff  }
0x1bb: {  	v1 =	vld.idx.msk [tilespmem:v1+s3+$0x0], $0xffff  }
0x1bc: {  	v2 =	vld.idx.msk [tilespmem:v2+s3+$0x0], $0xffff  }
0x1bd: {  	v3 =	vld.idx.msk [tilespmem:v3+s3+$0x0], $0xffff;
	_ =	sdelay $0x1  }
0x1be: {  	s30 =	simm.s32 $0x180;
	[tilespmem:s26+$0x40B0] =	vst v0  }
0x1bf: {  	s31 =	simm.s32 $0x200;
	s2 =	sand.u32 $0x3FFFFC00, s30;
	[tilespmem:s0+$0x40A0] =	vst v1;
	v0 =	vld [tilespmem:s23+$0xC0]  }
0x1c0: {  	s7 =	simm.s32 $0x40;
	s5 =	sand.u32 $0x380, s31;
	s12 =	sor.u32 s6, s2;
	[tilespmem:s1+$0x4090] =	vst v2;
	v1 =	vld [tilespmem:s14+$0xB0]  }
0x1c1: {  	s8 =	sand.u32 $0x3FFFFF80, s7;
	s6 =	sshll.u32 s5, $0x3;
	[tilespmem:s12+$0x4080] =	vst v3;
	v2 =	vld [tilespmem:s15+$0xA0]  }
0x1c2: {  	s7 =	sadd.s32 s8, s6;
	v3 =	vld [tilespmem:s4+$0x90]  }
0x1c3: {  	v4 =	vld [tilespmem:s7+$0x80];
	_ =	sdelay $0x3  }
0x1c4: {  	v0 =	vld.idx.msk [tilespmem:v0+s3+$0x0], $0xffff  }
0x1c5: {  	s16 =	simm.s32 $0x280;
	v1 =	vld.idx.msk [tilespmem:v1+s3+$0x0], $0xffff  }
0x1c6: {  	s16 =	sand.u32 $0x380, s16;
	s8 =	simm.s32 $0x50;
	v2 =	vld.idx.msk [tilespmem:v2+s3+$0x0], $0xffff  }
0x1c7: {  	s13 =	simm.s32 $0x200;
	s20 =	sshll.u32 s16, $0x3;
	s22 =	sand.u32 $0x3FFFFF80, s8;
	v3 =	vld.idx.msk [tilespmem:v3+s3+$0x0], $0xffff  }
0x1c8: {  	s2 =	sand.u32 $0x3FFFFC00, s13;
	s13 =	sadd.s32 s22, s20;
	v4 =	vld.idx.msk [tilespmem:v4+s3+$0x0], $0xffff  }
0x1c9: {  	v5 =	vld [tilespmem:s13+$0x80];
	[tilespmem:s26+$0x40C0] =	vst v0  }
0x1ca: {  	[tilespmem:s0+$0x40B0] =	vst v1;
	v0 =	vld [tilespmem:s23+$0xD0]  }
0x1cb: {  	[tilespmem:s1+$0x40A0] =	vst v2;
	v1 =	vld [tilespmem:s14+$0xC0]  }
0x1cc: {  	s6 =	sor.u32 s5, s2;
	[tilespmem:s12+$0x4090] =	vst v3;
	v2 =	vld [tilespmem:s15+$0xB0]  }
0x1cd: {  	[tilespmem:s6+$0x4080] =	vst v4;
	v3 =	vld [tilespmem:s4+$0xA0]  }
0x1ce: {  	v4 =	vld [tilespmem:s7+$0x90];
	_ =	sdelay $0x2  }
0x1cf: {  	v5 =	vld.idx.msk [tilespmem:v5+s3+$0x0], $0xffff  }
0x1d0: {  	v0 =	vld.idx.msk [tilespmem:v0+s3+$0x0], $0xffff  }
0x1d1: {  	s24 =	simm.s32 $0x280;
	v1 =	vld.idx.msk [tilespmem:v1+s3+$0x0], $0xffff  }
0x1d2: {  	s2 =	sand.u32 $0x3FFFFC00, s24;
	v2 =	vld.idx.msk [tilespmem:v2+s3+$0x0], $0xffff  }
0x1d3: {  	s16 =	sor.u32 s16, s2;
	v3 =	vld.idx.msk [tilespmem:v3+s3+$0x0], $0xffff  }
0x1d4: {  	[tilespmem:s16+$0x4080] =	vst v5;
	v4 =	vld.idx.msk [tilespmem:v4+s3+$0x0], $0xffff  }
0x1d5: {  	v5 =	vld [tilespmem:s13+$0x90];
	[tilespmem:s26+$0x40D0] =	vst v0  }
0x1d6: {  	[tilespmem:s0+$0x40C0] =	vst v1;
	v0 =	vld [tilespmem:s23+$0xE0]  }
0x1d7: {  	s25 =	simm.s32 $0x300;
	[tilespmem:s1+$0x40B0] =	vst v2;
	v1 =	vld [tilespmem:s14+$0xD0]  }
0x1d8: {  	s29 =	simm.s32 $0x60;
	s5 =	sand.u32 $0x380, s25;
	[tilespmem:s12+$0x40A0] =	vst v3;
	v2 =	vld [tilespmem:s15+$0xC0]  }
0x1d9: {  	s30 =	sshll.u32 s5, $0x3;
	s8 =	sand.u32 $0x3FFFFF80, s29;
	[tilespmem:s6+$0x4090] =	vst v4;
	v3 =	vld [tilespmem:s4+$0xB0]  }
0x1da: {  	s24 =	sadd.s32 s8, s30;
	v4 =	vld [tilespmem:s7+$0xA0]  }
0x1db: {  	v6 =	vld [tilespmem:s24+$0x80];
	_ =	sdelay $0x1  }
0x1dc: {  	v5 =	vld.idx.msk [tilespmem:v5+s3+$0x0], $0xffff  }
0x1dd: {  	v0 =	vld.idx.msk [tilespmem:v0+s3+$0x0], $0xffff  }
0x1de: {  	v1 =	vld.idx.msk [tilespmem:v1+s3+$0x0], $0xffff  }
0x1df: {  	v2 =	vld.idx.msk [tilespmem:v2+s3+$0x0], $0xffff  }
0x1e0: {  	v3 =	vld.idx.msk [tilespmem:v3+s3+$0x0], $0xffff  }
0x1e1: {  	v7 =	vld.idx.msk [tilespmem:v4+s3+$0x0], $0xffff  }
0x1e2: {  	v4 =	vld.idx.msk [tilespmem:v6+s3+$0x0], $0xffff;
	[tilespmem:s26+$0x40E0] =	vst v0  }
0x1e3: {  	[tilespmem:s0+$0x40D0] =	vst v1;
	v0 =	vld [tilespmem:s23+$0xF0]  }
0x1e4: {  	[tilespmem:s1+$0x40C0] =	vst v2;
	v1 =	vld [tilespmem:s14+$0xE0]  }
0x1e5: {  	s31 =	simm.s32 $0x300;
	s25 =	simm.s32 $0x7;
	[tilespmem:s12+$0x40B0] =	vst v3;
	v2 =	vld [tilespmem:s15+$0xD0]  }
0x1e6: {  	s2 =	simm.s32 $0x70;
	s8 =	sand.u32 $0x3FFFFC00, s31;
	s20 =	simm.s32 $0x380;
	[tilespmem:s6+$0x40A0] =	vst v7;
	v3 =	vld [tilespmem:s4+$0xC0]  }
0x1e7: {  	s22 =	simm.s32 $0x8;
	s28 =	sand.u32 $0x380, s20;
	[tilespmem:s16+$0x4090] =	vst v5;
	v5 =	vld [tilespmem:s7+$0xB0];
	s23 =	sor.u32 s5, s8  }
.LBB2_9:
0x1e8: {  	p1 =	sne.s32 s22, $0x3F;
	s5 =	sshll.u32 s28, $0x3;
	s2 =	sand.u32 $0x3FFFFF80, s2;
	[tilespmem:s23+$0x4080] =	vst v4;
	v4 =	vld [tilespmem:s13+$0xA0]  }
0x1e9: {  	s2 =	sadd.s32 s2, s5;
	v6 =	vld [tilespmem:s24+$0x90]  }
0x1ea: {  	v7 =	vld [tilespmem:s2+$0x80]  }
0x1eb: {  	v0 =	vld.idx.msk [tilespmem:v0+s3+$0x0], $0xffff  }
0x1ec: {  	v1 =	vld.idx.msk [tilespmem:v1+s3+$0x0], $0xffff  }
0x1ed: {  	v2 =	vld.idx.msk [tilespmem:v2+s3+$0x0], $0xffff  }
0x1ee: {  	v3 =	vld.idx.msk [tilespmem:v3+s3+$0x0], $0xffff  }
0x1ef: {  	v5 =	vld.idx.msk [tilespmem:v5+s3+$0x0], $0xffff  }
0x1f0: {  	v8 =	vld.idx.msk [tilespmem:v4+s3+$0x0], $0xffff  }
0x1f1: {  	v6 =	vld.idx.msk [tilespmem:v6+s3+$0x0], $0xffff;
	[tilespmem:s26+$0x40F0] =	vst v0;
	s26 =	smov.u32 s0;
	s0 =	smov.u32 s1;
	s1 =	smov.u32 s12  }
0x1f2: {  	s12 =	smov.u32 s6;
	s6 =	smov.u32 s16;
	s16 =	smov.u32 s23;
	v4 =	vld.idx.msk [tilespmem:v7+s3+$0x0], $0xffff;
	[tilespmem:s26+$0x40E0] =	vst v1  }
.Ltmp6:
0x1f3: {  	[tilespmem:s0+$0x40D0] =	vst v2;
	v0 =	vld [tilespmem:s14+$0xF0];
	s14 =	smov.u32 s15;
	s15 =	smov.u32 s4;
	(pc) =	sbr.rel @p1 .LBB2_9-.Ltmp6, $4  }
0x1f4: {  	s4 =	smov.u32 s7;
	s7 =	smov.u32 s13;
	s13 =	smov.u32 s24;
	[tilespmem:s1+$0x40C0] =	vst v3;
	v1 =	vld [tilespmem:s14+$0xE0]  }
0x1f5: {  	s5 =	sshll.u32 s25, $0x7;
	s25 =	smov.u32 s22;
	s24 =	smov.u32 s2;
	[tilespmem:s12+$0x40B0] =	vst v5;
	v2 =	vld [tilespmem:s15+$0xD0]  }
0x1f6: {  	s20 =	sadd.s32 $0x80, s20;
	s5 =	sand.u32 $0x3FFFFC00, s5;
	s2 =	sshll.u32 s22, $0x4;
	[tilespmem:s6+$0x40A0] =	vst v8;
	v3 =	vld [tilespmem:s4+$0xC0]  }
0x1f7: {  	s23 =	sor.u32 s28, s5;
	s28 =	sand.u32 $0x380, s20;
	s22 =	sadd.s32 $0x1, s22;
	[tilespmem:s16+$0x4090] =	vst v6;
	v5 =	vld [tilespmem:s7+$0xB0]  }
0x1f8: {  	s5 =	sshll.u32 s28, $0x3;
	s2 =	sand.u32 $0x3FFFFF80, s2  }
0x1f9: {  	s22 =	sadd.s32 s2, s5  }
0x1fa: {  	v6 =	vld [tilespmem:s22+$0x80];
	_ =	sdelay $0x7  }
0x1fb: {  	v6 =	vld.idx.msk [tilespmem:v6+s3+$0x0], $0xffff;
	_ =	sdelay $0x1  }
0x1fc: {  	s29 =	sshll.u32 s25, $0x7  }
0x1fd: {  	[tilespmem:s23+$0x4080] =	vst v4;
	s2 =	sand.u32 $0x3FFFFC00, s29  }
0x1fe: {  	v4 =	vld [tilespmem:s24+$0x90];
	s30 =	sor.u32 s28, s2  }
0x1ff: {  	[tilespmem:s30+$0x4080] =	vst v6  }
0x200: {  	v6 =	vld [tilespmem:s22+$0x90];
	_ =	sdelay $0x5  }
0x201: {  	v4 =	vld.idx.msk [tilespmem:v4+s3+$0x0], $0xffff;
	_ =	sdelay $0x1  }
0x202: {  	v6 =	vld.idx.msk [tilespmem:v6+s3+$0x0], $0xffff;
	_ =	sdelay $0x2  }
0x203: {  	v7 =	vld [tilespmem:s13+$0xA0];
	[tilespmem:s23+$0x4090] =	vst v4  }
0x204: {  	v4 =	vld [tilespmem:s24+$0xA0]  }
0x205: {  	[tilespmem:s30+$0x4090] =	vst v6  }
0x206: {  	v6 =	vld [tilespmem:s22+$0xA0];
	_ =	sdelay $0x4  }
0x207: {  	v7 =	vld.idx.msk [tilespmem:v7+s3+$0x0], $0xffff  }
0x208: {  	v4 =	vld.idx.msk [tilespmem:v4+s3+$0x0], $0xffff;
	_ =	sdelay $0x1  }
0x209: {  	v6 =	vld.idx.msk [tilespmem:v6+s3+$0x0], $0xffff;
	_ =	sdelay $0x1  }
0x20a: {  	[tilespmem:s16+$0x40A0] =	vst v7  }
0x20b: {  	v7 =	vld [tilespmem:s13+$0xB0];
	[tilespmem:s23+$0x40A0] =	vst v4  }
0x20c: {  	v4 =	vld [tilespmem:s24+$0xB0]  }
0x20d: {  	[tilespmem:s30+$0x40A0] =	vst v6  }
0x20e: {  	v6 =	vld [tilespmem:s22+$0xB0];
	_ =	sdelay $0x3  }
0x20f: {  	v5 =	vld.idx.msk [tilespmem:v5+s3+$0x0], $0xffff  }
0x210: {  	v7 =	vld.idx.msk [tilespmem:v7+s3+$0x0], $0xffff  }
0x211: {  	v4 =	vld.idx.msk [tilespmem:v4+s3+$0x0], $0xffff;
	_ =	sdelay $0x1  }
0x212: {  	v6 =	vld.idx.msk [tilespmem:v6+s3+$0x0], $0xffff  }
0x213: {  	[tilespmem:s6+$0x40B0] =	vst v5  }
0x214: {  	v5 =	vld [tilespmem:s7+$0xC0];
	[tilespmem:s16+$0x40B0] =	vst v7  }
0x215: {  	v7 =	vld [tilespmem:s13+$0xC0];
	[tilespmem:s23+$0x40B0] =	vst v4  }
0x216: {  	v4 =	vld [tilespmem:s24+$0xC0]  }
0x217: {  	[tilespmem:s30+$0x40B0] =	vst v6  }
0x218: {  	v6 =	vld [tilespmem:s22+$0xC0];
	_ =	sdelay $0x2  }
0x219: {  	v3 =	vld.idx.msk [tilespmem:v3+s3+$0x0], $0xffff  }
0x21a: {  	v5 =	vld.idx.msk [tilespmem:v5+s3+$0x0], $0xffff  }
0x21b: {  	v7 =	vld.idx.msk [tilespmem:v7+s3+$0x0], $0xffff  }
0x21c: {  	v4 =	vld.idx.msk [tilespmem:v4+s3+$0x0], $0xffff;
	_ =	sdelay $0x1  }
0x21d: {  	[tilespmem:s12+$0x40C0] =	vst v3;
	v6 =	vld.idx.msk [tilespmem:v6+s3+$0x0], $0xffff  }
0x21e: {  	v3 =	vld [tilespmem:s4+$0xD0];
	[tilespmem:s6+$0x40C0] =	vst v5  }
0x21f: {  	v5 =	vld [tilespmem:s7+$0xD0];
	[tilespmem:s16+$0x40C0] =	vst v7  }
0x220: {  	v7 =	vld [tilespmem:s13+$0xD0];
	[tilespmem:s23+$0x40C0] =	vst v4  }
0x221: {  	v4 =	vld [tilespmem:s24+$0xD0]  }
0x222: {  	[tilespmem:s30+$0x40C0] =	vst v6  }
0x223: {  	v6 =	vld [tilespmem:s22+$0xD0];
	_ =	sdelay $0x1  }
0x224: {  	v1 =	vld.idx.msk [tilespmem:v1+s3+$0x0], $0xffff  }
0x225: {  	v3 =	vld.idx.msk [tilespmem:v3+s3+$0x0], $0xffff  }
0x226: {  	v5 =	vld.idx.msk [tilespmem:v5+s3+$0x0], $0xffff  }
0x227: {  	v7 =	vld.idx.msk [tilespmem:v7+s3+$0x0], $0xffff  }
0x228: {  	v4 =	vld.idx.msk [tilespmem:v4+s3+$0x0], $0xffff  }
0x229: {  	v2 =	vld.idx.msk [tilespmem:v2+s3+$0x0], $0xffff  }
0x22a: {  	[tilespmem:s12+$0x40D0] =	vst v3;
	v60 =	vld.idx.msk [tilespmem:v6+s3+$0x0], $0xffff  }
0x22b: {  	v3 =	vld [tilespmem:s4+$0xE0];
	[tilespmem:s6+$0x40D0] =	vst v5  }
0x22c: {  	v5 =	vld [tilespmem:s7+$0xE0];
	[tilespmem:s16+$0x40D0] =	vst v7  }
0x22d: {  	v7 =	vld [tilespmem:s13+$0xE0];
	[tilespmem:s23+$0x40D0] =	vst v4  }
0x22e: {  	[tilespmem:s1+$0x40D0] =	vst v2;
	v4 =	vld [tilespmem:s24+$0xE0]  }
0x22f: {  	v61 =	vld [tilespmem:s15+$0xE0];
	[tilespmem:s30+$0x40D0] =	vst v60  }
0x230: {  	v2 =	vld [tilespmem:s22+$0xE0]  }
0x231: {  	[tilespmem:s0+$0x40E0] =	vst v1  }
0x232: {  	v1 =	vld [tilespmem:s14+$0xF0]  }
0x233: {  	v3 =	vld.idx.msk [tilespmem:v3+s3+$0x0], $0xffff  }
0x234: {  	v5 =	vld.idx.msk [tilespmem:v5+s3+$0x0], $0xffff  }
0x235: {  	v7 =	vld.idx.msk [tilespmem:v7+s3+$0x0], $0xffff  }
0x236: {  	v4 =	vld.idx.msk [tilespmem:v4+s3+$0x0], $0xffff  }
0x237: {  	v6 =	vld.idx.msk [tilespmem:v61+s3+$0x0], $0xffff  }
0x238: {  	[tilespmem:s12+$0x40E0] =	vst v3;
	v2 =	vld.idx.msk [tilespmem:v2+s3+$0x0], $0xffff  }
0x239: {  	v3 =	vld [tilespmem:s4+$0xF0];
	[tilespmem:s6+$0x40E0] =	vst v5  }
0x23a: {  	v5 =	vld [tilespmem:s7+$0xF0];
	[tilespmem:s16+$0x40E0] =	vst v7  }
0x23b: {  	v7 =	vld [tilespmem:s13+$0xF0];
	[tilespmem:s23+$0x40E0] =	vst v4  }
0x23c: {  	[tilespmem:s1+$0x40E0] =	vst v6;
	v4 =	vld [tilespmem:s24+$0xF0]  }
0x23d: {  	v6 =	vld [tilespmem:s15+$0xF0];
	[tilespmem:s30+$0x40E0] =	vst v2  }
0x23e: {  	v2 =	vld [tilespmem:s22+$0xF0]  }
0x23f: {  	v0 =	vld.idx.msk [tilespmem:v0+s3+$0x0], $0xffff  }
0x240: {  	v1 =	vld.idx.msk [tilespmem:v1+s3+$0x0], $0xffff  }
0x241: {  	v3 =	vld.idx.msk [tilespmem:v3+s3+$0x0], $0xffff  }
0x242: {  	v5 =	vld.idx.msk [tilespmem:v5+s3+$0x0], $0xffff  }
0x243: {  	v62 =	vld.idx.msk [tilespmem:v7+s3+$0x0], $0xffff  }
0x244: {  	[tilespmem:s26+$0x40F0] =	vst v0;
	v63 =	vld.idx.msk [tilespmem:v4+s3+$0x0], $0xffff  }
0x245: {  	[tilespmem:s0+$0x40F0] =	vst v1;
	v6 =	vld.idx.msk [tilespmem:v6+s3+$0x0], $0xffff  }
0x246: {  	[tilespmem:s12+$0x40F0] =	vst v3;
	v2 =	vld.idx.msk [tilespmem:v2+s3+$0x0], $0xffff  }
0x247: {  	[tilespmem:s6+$0x40F0] =	vst v5  }
0x248: {  	[tilespmem:s16+$0x40F0] =	vst v62  }
0x249: {  	[tilespmem:s23+$0x40F0] =	vst v63  }
.Ltmp7:
0x24a: {  	[tilespmem:s1+$0x40F0] =	vst v6;
	(pc) =	sbr.rel .LBB2_11-.Ltmp7, $4  }
0x24b: {  	[tilespmem:s30+$0x40F0] =	vst v2  }
0x24c: {  	s0 =	rddreg [dreg:$0xa]  }
0x24d: {  	s31 =	simm.s32 $0x4080;
	s2 =	rddreg [dreg:$0xc]  }
0x24e: {  	[hbm4b:s0+s18] =	stream.strided.scatter [tilespmem:s31], [sflag:$0x3], $0x2000, s19, s18, $0x38;
	[tilespmem:$0x8080] =	vst v63  }
.LBB2_12:
0x24f: {  	_ =	sfence.sel $0x180000  }
0x250: {  	[bflag:$0x0] =	sbarrier.arrive $0xFFFF  }
0x251: {  	_ =	strace $0x90000047  }
0x252: {  	s0 =	stileid.u32;
	[bflag:$0x2] =	sbarrier.arrive $0xFFFF  }
0x253: {  	p0 =	sne.s32 s0, $0x0;
	s0 =	rddreg [dreg:$0x3]  }
0x254: {  	s0 =	sadd.s32 @!p0 $0x100000, s0  }
0x255: {  	[sflag:s0] =	ssyncadd.tile.s32 @!p0 $0x1;
	_ =	shalt  }
.Lfunc_end2:
_tile_overlayer_lowered:
.L_overlay_start_2:
0x256: {  	(tag) =	ssettag $0x2  }
0x257: {  	s0 =	rddreg [dreg:$0x0];
	s2 =	stileid.u32  }
0x258: {  	s1 =	rddreg [dreg:$0x1];
	p0 =	sne.s32 s2, $0x0  }
0x259: {  	s3 =	rddreg [dreg:$0x2];
	[bflag:$0x3] =	sbarrier.arrive $0xFFFF;
	s2 =	simm.s32 @!p0 $0x1C05  }
0x25a: {  	[timem:s3], [sflag:s2] =	dma.local @!p0 [hbm:s0], s1  }
0x25b: {  	s0 =	simm.s32 @!p0 $0x5  }
0x25c: {  	_ =	swait.ge @!p0 [sflag:s0], s1  }
0x25d: {  	s1 =	ssub.s32 @!p0 $0x0, s1;
	[sflag:s0] =	ssyncset.done @!p0 $0x0  }
0x25e: {  	[sflag:s0] =	ssyncadd.s32 @!p0 s1  }
0x25f: {  	[bflag:$0x3] =	sbarrier.arrive $0xFFFF  }
0x260: {  	_ =	shalt  }

</sc_bundles>
